<compile_context>
chip_gen: v7x
topology: tpu7x:2x2x1
jax: 0.10.2.dev20260603
libtpu: 0.0.44.dev20260713+nightly
codegen_flags: <defaults>
</compile_context>

<pallas_src>
import functools

import jax
import jax.numpy as jnp
from jax import lax
from jax.experimental import pallas as pl
from jax.experimental.pallas import tpu as pltpu
from jax.experimental.pallas import tpu_sc as plsc

_ROWS, _COLS = 8192, 4096
_NC, _NS, _L = 2, 16, 16
_NW = _NC * _NS
_CPW = _COLS // _NW
_G = _CPW // _L
_CHUNK = 128
_NCHUNK = _ROWS // _CHUNK
_K = 4
_NGRP = _NCHUNK // _K

_mesh = plsc.VectorSubcoreMesh(core_axis_name="c", subcore_axis_name="s")


@functools.partial(
    pl.kernel,
    out_type=jax.ShapeDtypeStruct((_ROWS, _COLS), jnp.float32),
    mesh=_mesh,
    scratch_types=(
        [pltpu.VMEM((_CHUNK, _CPW), jnp.float32)] * _K
        + [pltpu.SemaphoreType.DMA] * (2 * _K)
    ),
)
def _sc_cumsum(in_hbm, out_hbm, *scratch):
    bufs = scratch[:_K]
    isems = scratch[_K:2 * _K]
    osems = scratch[2 * _K:]
    wid = lax.axis_index("s") * _NC + lax.axis_index("c")
    c0 = wid * _CPW

    def in_copy(i, s):
        return pltpu.make_async_copy(
            in_hbm.at[pl.ds(i * _CHUNK, _CHUNK), pl.ds(c0, _CPW)],
            bufs[s], isems[s])

    def out_copy(i, s):
        return pltpu.make_async_copy(
            bufs[s], out_hbm.at[pl.ds(i * _CHUNK, _CHUNK), pl.ds(c0, _CPW)],
            osems[s])

    def scan_chunk(buf, carry):
        def row_body(r, c):
            new = []
            for g in range(_G):
                v = buf[r, pl.ds(g * _L, _L)]
                cg = c[g] + v
                buf[r, pl.ds(g * _L, _L)] = cg
                new.append(cg)
            return tuple(new)
        return lax.fori_loop(0, _CHUNK, row_body, carry, unroll=2)

    in_copy(0, 0).start()
    in_copy(1, 1).start()

    def grp_body(t, carry):
        for s in range(_K):
            i = _K * t + s
            in_copy(i, s).wait()
            carry = scan_chunk(bufs[s], carry)
            out_copy(i, s).start()
            s2 = (s + 2) % _K
            if s < _K - 2:
                @pl.when(t > 0)
                def _():
                    out_copy(i - (_K - 2), s2).wait()
                in_copy(i + 2, s2).start()
            else:
                out_copy(i - (_K - 2), s2).wait()

                @pl.when(t < _NGRP - 1)
                def _():
                    in_copy(i + 2, s2).start()
        return carry

    zero = jnp.zeros((_L,), jnp.float32)
    lax.fori_loop(0, _NGRP, grp_body, tuple(zero for _ in range(_G)))
    for s in range(2, _K):
        out_copy(_NCHUNK - _K + s, s).wait()


def kernel(tensor):
    return _sc_cumsum(tensor)

# --- scband reference (transcript-rebuilt; emitter-appended) ---
"""Pipeline reference for scband-simple-cum-sum-module-6975026889104 (READ-ONLY COPY).

The authoritative reference and input builder live on the scoring server;
editing this copy changes nothing except your own understanding.
"""

import jax, jax.numpy as jnp
import numpy as np

def setup_inputs(seed: int = 0) -> dict:
    key = jax.random.key(seed)
    tensor = jax.random.normal(key, (8192, 4096), dtype=jnp.float32)
    return {"tensor": tensor}

def reference(tensor):
    return jnp.cumsum(tensor, axis=0)

if __name__ == "__main__":
    import jax
    _d = setup_inputs()
    print(jax.jit(kernel)(*tuple(_d.values())))

</pallas_src>

<mosaic_0001>
#map = affine_map<(d0, d1) -> (0, 0)>
module attributes {stable_mosaic.version = 14 : i64} {
  func.func @_sc_cumsum(%arg0: i32, %arg1: i32, %arg2: memref<8192x4096xf32, #tpu.memory_space<hbm>>, %arg3: memref<8192x4096xf32, #tpu.memory_space<hbm>>, %arg4: memref<128x128xf32, #tpu.memory_space<vmem>>, %arg5: memref<128x128xf32, #tpu.memory_space<vmem>>, %arg6: memref<128x128xf32, #tpu.memory_space<vmem>>, %arg7: memref<128x128xf32, #tpu.memory_space<vmem>>, %arg8: memref<!tpu.dma_semaphore, #tpu.memory_space<semaphore_mem>>, %arg9: memref<!tpu.dma_semaphore, #tpu.memory_space<semaphore_mem>>, %arg10: memref<!tpu.dma_semaphore, #tpu.memory_space<semaphore_mem>>, %arg11: memref<!tpu.dma_semaphore, #tpu.memory_space<semaphore_mem>>, %arg12: memref<!tpu.dma_semaphore, #tpu.memory_space<semaphore_mem>>, %arg13: memref<!tpu.dma_semaphore, #tpu.memory_space<semaphore_mem>>, %arg14: memref<!tpu.dma_semaphore, #tpu.memory_space<semaphore_mem>>, %arg15: memref<!tpu.dma_semaphore, #tpu.memory_space<semaphore_mem>>) attributes {dimension_semantics = [#tpu.dimension_semantics<core_parallel>, #tpu.dimension_semantics<subcore_parallel>], iteration_bounds = array<i64: 2, 16>, scalar_prefetch = 0 : i64, scratch_operands = 12 : i64, tpu.core_type = #tpu.core_type<sc_vector_subcore>, window_params = [{transform_indices = #map}, {transform_indices = #map}]} {
    %mul3A = arith.constant 2 : i32
    %mul3A_0 = arith.muli %arg1, %mul3A : i32
    %add3A = arith.addi %mul3A_0, %arg0 : i32
    %mul3A_1 = arith.constant 128 : i32
    %mul3A_2 = arith.muli %add3A, %mul3A_1 : i32
    %dma_start3A = arith.constant 0 : i32
    %dma_start3A_3 = tpu.memref_slice %arg2[%dma_start3A, %mul3A_2] : memref<8192x4096xf32, #tpu.memory_space<hbm>> -> memref<128x128xf32, #tpu.memory_space<hbm>>
    %dma_start3A_4 = arith.constant 0 : i32
    %dma_start3A_5 = tpu.memref_slice %arg2[%dma_start3A_4, %mul3A_2] : memref<8192x4096xf32, #tpu.memory_space<hbm>> -> memref<128x128xf32, #tpu.memory_space<hbm>>
    tpu.enqueue_dma source(%dma_start3A_5 : memref<128x128xf32, #tpu.memory_space<hbm>>) target(%arg4 : memref<128x128xf32, #tpu.memory_space<vmem>>) target_semaphore(%arg8 : memref<!tpu.dma_semaphore, #tpu.memory_space<semaphore_mem>>)
    %dma_start3A_6 = arith.constant 128 : i32
    %dma_start3A_7 = tpu.memref_slice %arg2[%dma_start3A_6, %mul3A_2] : memref<8192x4096xf32, #tpu.memory_space<hbm>> -> memref<128x128xf32, #tpu.memory_space<hbm>>
    %dma_start3A_8 = arith.constant 128 : i32
    %dma_start3A_9 = tpu.memref_slice %arg2[%dma_start3A_8, %mul3A_2] : memref<8192x4096xf32, #tpu.memory_space<hbm>> -> memref<128x128xf32, #tpu.memory_space<hbm>>
    tpu.enqueue_dma source(%dma_start3A_9 : memref<128x128xf32, #tpu.memory_space<hbm>>) target(%arg5 : memref<128x128xf32, #tpu.memory_space<vmem>>) target_semaphore(%arg9 : memref<!tpu.dma_semaphore, #tpu.memory_space<semaphore_mem>>)
    %broadcast_in_dim3A = arith.constant 0.000000e+00 : f32
    %broadcast_in_dim3A_10 = vector.broadcast %broadcast_in_dim3A : f32 to vector<16xf32>
    %scan3A = arith.constant 0 : i32
    %scan3A_11 = arith.constant 16 : i32
    %scan3A_12 = arith.addi %scan3A, %scan3A_11 : i32
    %scan3A_13 = arith.constant 1 : i32
    %scan3A_14:8 = scf.for %scan3A_23 = %scan3A to %scan3A_12 step %scan3A_13 iter_args(%scan3A_24 = %broadcast_in_dim3A_10, %scan3A_25 = %broadcast_in_dim3A_10, %scan3A_26 = %broadcast_in_dim3A_10, %scan3A_27 = %broadcast_in_dim3A_10, %scan3A_28 = %broadcast_in_dim3A_10, %scan3A_29 = %broadcast_in_dim3A_10, %scan3A_30 = %broadcast_in_dim3A_10, %scan3A_31 = %broadcast_in_dim3A_10) -> (vector<16xf32>, vector<16xf32>, vector<16xf32>, vector<16xf32>, vector<16xf32>, vector<16xf32>, vector<16xf32>, vector<16xf32>)  : i32 {
      %mul3A_32 = arith.constant 4 : i32
      %mul3A_33 = arith.muli %mul3A_32, %scan3A_23 : i32
      %add3A_34 = arith.constant 0 : i32
      %add3A_35 = arith.addi %mul3A_33, %add3A_34 : i32
      %mul3A_36 = arith.constant 128 : i32
      %mul3A_37 = arith.muli %add3A_35, %mul3A_36 : i32
      %dma_wait3A_38 = tpu.memref_slice %arg2[%mul3A_37, %mul3A_2] : memref<8192x4096xf32, #tpu.memory_space<hbm>> -> memref<128x128xf32, #tpu.memory_space<hbm>>
      %dma_wait3A_39 = tpu.memref_slice %arg2[%mul3A_37, %mul3A_2] : memref<8192x4096xf32, #tpu.memory_space<hbm>> -> memref<128x128xf32, #tpu.memory_space<hbm>>
      tpu.wait_dma2 semaphore(%arg8 : memref<!tpu.dma_semaphore, #tpu.memory_space<semaphore_mem>>) src(%dma_wait3A_39 : memref<128x128xf32, #tpu.memory_space<hbm>>) dst(%arg4 : memref<128x128xf32, #tpu.memory_space<vmem>>)
      %scan3A_40 = arith.constant 0 : i32
      %scan3A_41 = arith.constant 128 : i32
      %scan3A_42 = arith.addi %scan3A_40, %scan3A_41 : i32
      %scan3A_43 = arith.constant 2 : i32
      %scan3A_44:8 = scf.for %scan3A_143 = %scan3A_40 to %scan3A_42 step %scan3A_43 iter_args(%scan3A_144 = %scan3A_24, %scan3A_145 = %scan3A_25, %scan3A_146 = %scan3A_26, %scan3A_147 = %scan3A_27, %scan3A_148 = %scan3A_28, %scan3A_149 = %scan3A_29, %scan3A_150 = %scan3A_30, %scan3A_151 = %scan3A_31) -> (vector<16xf32>, vector<16xf32>, vector<16xf32>, vector<16xf32>, vector<16xf32>, vector<16xf32>, vector<16xf32>, vector<16xf32>)  : i32 {
        %get3A = arith.index_cast %scan3A_143 : i32 to index
        %get3A_152 = arith.constant 0 : index
        %get3A_153 = tpu.vector_load %arg4[%get3A, %get3A_152] {strides = array<i32>} : memref<128x128xf32, #tpu.memory_space<vmem>>, vector<1x16xf32>,
        %get3A_154 = vector.shape_cast %get3A_153 : vector<1x16xf32> to vector<16xf32>
        %add3A_155 = arith.addf %scan3A_144, %get3A_154 : vector<16xf32>
        %swap3A = arith.index_cast %scan3A_143 : i32 to index
        %swap3A_156 = arith.constant 0 : index
        %swap3A_157 = tpu.vector_load %arg4[%swap3A, %swap3A_156] {strides = array<i32>} : memref<128x128xf32, #tpu.memory_space<vmem>>, vector<1x16xf32>,
        %swap3A_158 = vector.shape_cast %swap3A_157 : vector<1x16xf32> to vector<16xf32>
        %swap3A_159 = vector.shape_cast %add3A_155 : vector<16xf32> to vector<1x16xf32>
        tpu.vector_store %arg4[%swap3A, %swap3A_156], %swap3A_159 {strides = array<i32>} : memref<128x128xf32, #tpu.memory_space<vmem>>, vector<1x16xf32>,
        %get3A_160 = arith.index_cast %scan3A_143 : i32 to index
        %get3A_161 = arith.constant 16 : index
        %get3A_162 = tpu.vector_load %arg4[%get3A_160, %get3A_161] {strides = array<i32>} : memref<128x128xf32, #tpu.memory_space<vmem>>, vector<1x16xf32>,
        %get3A_163 = vector.shape_cast %get3A_162 : vector<1x16xf32> to vector<16xf32>
        %add3A_164 = arith.addf %scan3A_145, %get3A_163 : vector<16xf32>
        %swap3A_165 = arith.index_cast %scan3A_143 : i32 to index
        %swap3A_166 = arith.constant 16 : index
        %swap3A_167 = tpu.vector_load %arg4[%swap3A_165, %swap3A_166] {strides = array<i32>} : memref<128x128xf32, #tpu.memory_space<vmem>>, vector<1x16xf32>,
        %swap3A_168 = vector.shape_cast %swap3A_167 : vector<1x16xf32> to vector<16xf32>
        %swap3A_169 = vector.shape_cast %add3A_164 : vector<16xf32> to vector<1x16xf32>
        tpu.vector_store %arg4[%swap3A_165, %swap3A_166], %swap3A_169 {strides = array<i32>} : memref<128x128xf32, #tpu.memory_space<vmem>>, vector<1x16xf32>,
        %get3A_170 = arith.index_cast %scan3A_143 : i32 to index
        %get3A_171 = arith.constant 32 : index
        %get3A_172 = tpu.vector_load %arg4[%get3A_170, %get3A_171] {strides = array<i32>} : memref<128x128xf32, #tpu.memory_space<vmem>>, vector<1x16xf32>,
        %get3A_173 = vector.shape_cast %get3A_172 : vector<1x16xf32> to vector<16xf32>
        %add3A_174 = arith.addf %scan3A_146, %get3A_173 : vector<16xf32>
        %swap3A_175 = arith.index_cast %scan3A_143 : i32 to index
        %swap3A_176 = arith.constant 32 : index
        %swap3A_177 = tpu.vector_load %arg4[%swap3A_175, %swap3A_176] {strides = array<i32>} : memref<128x128xf32, #tpu.memory_space<vmem>>, vector<1x16xf32>,
        %swap3A_178 = vector.shape_cast %swap3A_177 : vector<1x16xf32> to vector<16xf32>
        %swap3A_179 = vector.shape_cast %add3A_174 : vector<16xf32> to vector<1x16xf32>
        tpu.vector_store %arg4[%swap3A_175, %swap3A_176], %swap3A_179 {strides = array<i32>} : memref<128x128xf32, #tpu.memory_space<vmem>>, vector<1x16xf32>,
        %get3A_180 = arith.index_cast %scan3A_143 : i32 to index
        %get3A_181 = arith.constant 48 : index
        %get3A_182 = tpu.vector_load %arg4[%get3A_180, %get3A_181] {strides = array<i32>} : memref<128x128xf32, #tpu.memory_space<vmem>>, vector<1x16xf32>,
        %get3A_183 = vector.shape_cast %get3A_182 : vector<1x16xf32> to vector<16xf32>
        %add3A_184 = arith.addf %scan3A_147, %get3A_183 : vector<16xf32>
        %swap3A_185 = arith.index_cast %scan3A_143 : i32 to index
        %swap3A_186 = arith.constant 48 : index
        %swap3A_187 = tpu.vector_load %arg4[%swap3A_185, %swap3A_186] {strides = array<i32>} : memref<128x128xf32, #tpu.memory_space<vmem>>, vector<1x16xf32>,
        %swap3A_188 = vector.shape_cast %swap3A_187 : vector<1x16xf32> to vector<16xf32>
        %swap3A_189 = vector.shape_cast %add3A_184 : vector<16xf32> to vector<1x16xf32>
        tpu.vector_store %arg4[%swap3A_185, %swap3A_186], %swap3A_189 {strides = array<i32>} : memref<128x128xf32, #tpu.memory_space<vmem>>, vector<1x16xf32>,
        %get3A_190 = arith.index_cast %scan3A_143 : i32 to index
        %get3A_191 = arith.constant 64 : index
        %get3A_192 = tpu.vector_load %arg4[%get3A_190, %get3A_191] {strides = array<i32>} : memref<128x128xf32, #tpu.memory_space<vmem>>, vector<1x16xf32>,
        %get3A_193 = vector.shape_cast %get3A_192 : vector<1x16xf32> to vector<16xf32>
        %add3A_194 = arith.addf %scan3A_148, %get3A_193 : vector<16xf32>
        %swap3A_195 = arith.index_cast %scan3A_143 : i32 to index
        %swap3A_196 = arith.constant 64 : index
        %swap3A_197 = tpu.vector_load %arg4[%swap3A_195, %swap3A_196] {strides = array<i32>} : memref<128x128xf32, #tpu.memory_space<vmem>>, vector<1x16xf32>,
        %swap3A_198 = vector.shape_cast %swap3A_197 : vector<1x16xf32> to vector<16xf32>
        %swap3A_199 = vector.shape_cast %add3A_194 : vector<16xf32> to vector<1x16xf32>
        tpu.vector_store %arg4[%swap3A_195, %swap3A_196], %swap3A_199 {strides = array<i32>} : memref<128x128xf32, #tpu.memory_space<vmem>>, vector<1x16xf32>,
        %get3A_200 = arith.index_cast %scan3A_143 : i32 to index
        %get3A_201 = arith.constant 80 : index
        %get3A_202 = tpu.vector_load %arg4[%get3A_200, %get3A_201] {strides = array<i32>} : memref<128x128xf32, #tpu.memory_space<vmem>>, vector<1x16xf32>,
        %get3A_203 = vector.shape_cast %get3A_202 : vector<1x16xf32> to vector<16xf32>
        %add3A_204 = arith.addf %scan3A_149, %get3A_203 : vector<16xf32>
        %swap3A_205 = arith.index_cast %scan3A_143 : i32 to index
        %swap3A_206 = arith.constant 80 : index
        %swap3A_207 = tpu.vector_load %arg4[%swap3A_205, %swap3A_206] {strides = array<i32>} : memref<128x128xf32, #tpu.memory_space<vmem>>, vector<1x16xf32>,
        %swap3A_208 = vector.shape_cast %swap3A_207 : vector<1x16xf32> to vector<16xf32>
        %swap3A_209 = vector.shape_cast %add3A_204 : vector<16xf32> to vector<1x16xf32>
        tpu.vector_store %arg4[%swap3A_205, %swap3A_206], %swap3A_209 {strides = array<i32>} : memref<128x128xf32, #tpu.memory_space<vmem>>, vector<1x16xf32>,
        %get3A_210 = arith.index_cast %scan3A_143 : i32 to index
        %get3A_211 = arith.constant 96 : index
        %get3A_212 = tpu.vector_load %arg4[%get3A_210, %get3A_211] {strides = array<i32>} : memref<128x128xf32, #tpu.memory_space<vmem>>, vector<1x16xf32>,
        %get3A_213 = vector.shape_cast %get3A_212 : vector<1x16xf32> to vector<16xf32>
        %add3A_214 = arith.addf %scan3A_150, %get3A_213 : vector<16xf32>
        %swap3A_215 = arith.index_cast %scan3A_143 : i32 to index
        %swap3A_216 = arith.constant 96 : index
        %swap3A_217 = tpu.vector_load %arg4[%swap3A_215, %swap3A_216] {strides = array<i32>} : memref<128x128xf32, #tpu.memory_space<vmem>>, vector<1x16xf32>,
        %swap3A_218 = vector.shape_cast %swap3A_217 : vector<1x16xf32> to vector<16xf32>
        %swap3A_219 = vector.shape_cast %add3A_214 : vector<16xf32> to vector<1x16xf32>
        tpu.vector_store %arg4[%swap3A_215, %swap3A_216], %swap3A_219 {strides = array<i32>} : memref<128x128xf32, #tpu.memory_space<vmem>>, vector<1x16xf32>,
        %get3A_220 = arith.index_cast %scan3A_143 : i32 to index
        %get3A_221 = arith.constant 112 : index
        %get3A_222 = tpu.vector_load %arg4[%get3A_220, %get3A_221] {strides = array<i32>} : memref<128x128xf32, #tpu.memory_space<vmem>>, vector<1x16xf32>,
        %get3A_223 = vector.shape_cast %get3A_222 : vector<1x16xf32> to vector<16xf32>
        %add3A_224 = arith.addf %scan3A_151, %get3A_223 : vector<16xf32>
        %swap3A_225 = arith.index_cast %scan3A_143 : i32 to index
        %swap3A_226 = arith.constant 112 : index
        %swap3A_227 = tpu.vector_load %arg4[%swap3A_225, %swap3A_226] {strides = array<i32>} : memref<128x128xf32, #tpu.memory_space<vmem>>, vector<1x16xf32>,
        %swap3A_228 = vector.shape_cast %swap3A_227 : vector<1x16xf32> to vector<16xf32>
        %swap3A_229 = vector.shape_cast %add3A_224 : vector<16xf32> to vector<1x16xf32>
        tpu.vector_store %arg4[%swap3A_225, %swap3A_226], %swap3A_229 {strides = array<i32>} : memref<128x128xf32, #tpu.memory_space<vmem>>, vector<1x16xf32>,
        %scan3A_230 = arith.constant 1 : i32
        %scan3A_231 = arith.addi %scan3A_143, %scan3A_230 : i32
        %get3A_232 = arith.index_cast %scan3A_231 : i32 to index
        %get3A_233 = arith.constant 0 : index
        %get3A_234 = tpu.vector_load %arg4[%get3A_232, %get3A_233] {strides = array<i32>} : memref<128x128xf32, #tpu.memory_space<vmem>>, vector<1x16xf32>,
        %get3A_235 = vector.shape_cast %get3A_234 : vector<1x16xf32> to vector<16xf32>
        %add3A_236 = arith.addf %add3A_155, %get3A_235 : vector<16xf32>
        %swap3A_237 = arith.index_cast %scan3A_231 : i32 to index
        %swap3A_238 = arith.constant 0 : index
        %swap3A_239 = tpu.vector_load %arg4[%swap3A_237, %swap3A_238] {strides = array<i32>} : memref<128x128xf32, #tpu.memory_space<vmem>>, vector<1x16xf32>,
        %swap3A_240 = vector.shape_cast %swap3A_239 : vector<1x16xf32> to vector<16xf32>
        %swap3A_241 = vector.shape_cast %add3A_236 : vector<16xf32> to vector<1x16xf32>
        tpu.vector_store %arg4[%swap3A_237, %swap3A_238], %swap3A_241 {strides = array<i32>} : memref<128x128xf32, #tpu.memory_space<vmem>>, vector<1x16xf32>,
        %get3A_242 = arith.index_cast %scan3A_231 : i32 to index
        %get3A_243 = arith.constant 16 : index
        %get3A_244 = tpu.vector_load %arg4[%get3A_242, %get3A_243] {strides = array<i32>} : memref<128x128xf32, #tpu.memory_space<vmem>>, vector<1x16xf32>,
        %get3A_245 = vector.shape_cast %get3A_244 : vector<1x16xf32> to vector<16xf32>
        %add3A_246 = arith.addf %add3A_164, %get3A_245 : vector<16xf32>
        %swap3A_247 = arith.index_cast %scan3A_231 : i32 to index
        %swap3A_248 = arith.constant 16 : index
        %swap3A_249 = tpu.vector_load %arg4[%swap3A_247, %swap3A_248] {strides = array<i32>} : memref<128x128xf32, #tpu.memory_space<vmem>>, vector<1x16xf32>,
        %swap3A_250 = vector.shape_cast %swap3A_249 : vector<1x16xf32> to vector<16xf32>
        %swap3A_251 = vector.shape_cast %add3A_246 : vector<16xf32> to vector<1x16xf32>
        tpu.vector_store %arg4[%swap3A_247, %swap3A_248], %swap3A_251 {strides = array<i32>} : memref<128x128xf32, #tpu.memory_space<vmem>>, vector<1x16xf32>,
        %get3A_252 = arith.index_cast %scan3A_231 : i32 to index
        %get3A_253 = arith.constant 32 : index
        %get3A_254 = tpu.vector_load %arg4[%get3A_252, %get3A_253] {strides = array<i32>} : memref<128x128xf32, #tpu.memory_space<vmem>>, vector<1x16xf32>,
        %get3A_255 = vector.shape_cast %get3A_254 : vector<1x16xf32> to vector<16xf32>
        %add3A_256 = arith.addf %add3A_174, %get3A_255 : vector<16xf32>
        %swap3A_257 = arith.index_cast %scan3A_231 : i32 to index
        %swap3A_258 = arith.constant 32 : index
        %swap3A_259 = tpu.vector_load %arg4[%swap3A_257, %swap3A_258] {strides = array<i32>} : memref<128x128xf32, #tpu.memory_space<vmem>>, vector<1x16xf32>,
        %swap3A_260 = vector.shape_cast %swap3A_259 : vector<1x16xf32> to vector<16xf32>
        %swap3A_261 = vector.shape_cast %add3A_256 : vector<16xf32> to vector<1x16xf32>
        tpu.vector_store %arg4[%swap3A_257, %swap3A_258], %swap3A_261 {strides = array<i32>} : memref<128x128xf32, #tpu.memory_space<vmem>>, vector<1x16xf32>,
        %get3A_262 = arith.index_cast %scan3A_231 : i32 to index
        %get3A_263 = arith.constant 48 : index
        %get3A_264 = tpu.vector_load %arg4[%get3A_262, %get3A_263] {strides = array<i32>} : memref<128x128xf32, #tpu.memory_space<vmem>>, vector<1x16xf32>,
        %get3A_265 = vector.shape_cast %get3A_264 : vector<1x16xf32> to vector<16xf32>
        %add3A_266 = arith.addf %add3A_184, %get3A_265 : vector<16xf32>
        %swap3A_267 = arith.index_cast %scan3A_231 : i32 to index
        %swap3A_268 = arith.constant 48 : index
        %swap3A_269 = tpu.vector_load %arg4[%swap3A_267, %swap3A_268] {strides = array<i32>} : memref<128x128xf32, #tpu.memory_space<vmem>>, vector<1x16xf32>,
        %swap3A_270 = vector.shape_cast %swap3A_269 : vector<1x16xf32> to vector<16xf32>
        %swap3A_271 = vector.shape_cast %add3A_266 : vector<16xf32> to vector<1x16xf32>
        tpu.vector_store %arg4[%swap3A_267, %swap3A_268], %swap3A_271 {strides = array<i32>} : memref<128x128xf32, #tpu.memory_space<vmem>>, vector<1x16xf32>,
        %get3A_272 = arith.index_cast %scan3A_231 : i32 to index
        %get3A_273 = arith.constant 64 : index
        %get3A_274 = tpu.vector_load %arg4[%get3A_272, %get3A_273] {strides = array<i32>} : memref<128x128xf32, #tpu.memory_space<vmem>>, vector<1x16xf32>,
        %get3A_275 = vector.shape_cast %get3A_274 : vector<1x16xf32> to vector<16xf32>
        %add3A_276 = arith.addf %add3A_194, %get3A_275 : vector<16xf32>
        %swap3A_277 = arith.index_cast %scan3A_231 : i32 to index
        %swap3A_278 = arith.constant 64 : index
        %swap3A_279 = tpu.vector_load %arg4[%swap3A_277, %swap3A_278] {strides = array<i32>} : memref<128x128xf32, #tpu.memory_space<vmem>>, vector<1x16xf32>,
        %swap3A_280 = vector.shape_cast %swap3A_279 : vector<1x16xf32> to vector<16xf32>
        %swap3A_281 = vector.shape_cast %add3A_276 : vector<16xf32> to vector<1x16xf32>
        tpu.vector_store %arg4[%swap3A_277, %swap3A_278], %swap3A_281 {strides = array<i32>} : memref<128x128xf32, #tpu.memory_space<vmem>>, vector<1x16xf32>,
        %get3A_282 = arith.index_cast %scan3A_231 : i32 to index
        %get3A_283 = arith.constant 80 : index
        %get3A_284 = tpu.vector_load %arg4[%get3A_282, %get3A_283] {strides = array<i32>} : memref<128x128xf32, #tpu.memory_space<vmem>>, vector<1x16xf32>,
        %get3A_285 = vector.shape_cast %get3A_284 : vector<1x16xf32> to vector<16xf32>
        %add3A_286 = arith.addf %add3A_204, %get3A_285 : vector<16xf32>
        %swap3A_287 = arith.index_cast %scan3A_231 : i32 to index
        %swap3A_288 = arith.constant 80 : index
        %swap3A_289 = tpu.vector_load %arg4[%swap3A_287, %swap3A_288] {strides = array<i32>} : memref<128x128xf32, #tpu.memory_space<vmem>>, vector<1x16xf32>,
        %swap3A_290 = vector.shape_cast %swap3A_289 : vector<1x16xf32> to vector<16xf32>
        %swap3A_291 = vector.shape_cast %add3A_286 : vector<16xf32> to vector<1x16xf32>
        tpu.vector_store %arg4[%swap3A_287, %swap3A_288], %swap3A_291 {strides = array<i32>} : memref<128x128xf32, #tpu.memory_space<vmem>>, vector<1x16xf32>,
        %get3A_292 = arith.index_cast %scan3A_231 : i32 to index
        %get3A_293 = arith.constant 96 : index
        %get3A_294 = tpu.vector_load %arg4[%get3A_292, %get3A_293] {strides = array<i32>} : memref<128x128xf32, #tpu.memory_space<vmem>>, vector<1x16xf32>,
        %get3A_295 = vector.shape_cast %get3A_294 : vector<1x16xf32> to vector<16xf32>
        %add3A_296 = arith.addf %add3A_214, %get3A_295 : vector<16xf32>
        %swap3A_297 = arith.index_cast %scan3A_231 : i32 to index
        %swap3A_298 = arith.constant 96 : index
        %swap3A_299 = tpu.vector_load %arg4[%swap3A_297, %swap3A_298] {strides = array<i32>} : memref<128x128xf32, #tpu.memory_space<vmem>>, vector<1x16xf32>,
        %swap3A_300 = vector.shape_cast %swap3A_299 : vector<1x16xf32> to vector<16xf32>
        %swap3A_301 = vector.shape_cast %add3A_296 : vector<16xf32> to vector<1x16xf32>
        tpu.vector_store %arg4[%swap3A_297, %swap3A_298], %swap3A_301 {strides = array<i32>} : memref<128x128xf32, #tpu.memory_space<vmem>>, vector<1x16xf32>,
        %get3A_302 = arith.index_cast %scan3A_231 : i32 to index
        %get3A_303 = arith.constant 112 : index
        %get3A_304 = tpu.vector_load %arg4[%get3A_302, %get3A_303] {strides = array<i32>} : memref<128x128xf32, #tpu.memory_space<vmem>>, vector<1x16xf32>,
        %get3A_305 = vector.shape_cast %get3A_304 : vector<1x16xf32> to vector<16xf32>
        %add3A_306 = arith.addf %add3A_224, %get3A_305 : vector<16xf32>
        %swap3A_307 = arith.index_cast %scan3A_231 : i32 to index
        %swap3A_308 = arith.constant 112 : index
        %swap3A_309 = tpu.vector_load %arg4[%swap3A_307, %swap3A_308] {strides = array<i32>} : memref<128x128xf32, #tpu.memory_space<vmem>>, vector<1x16xf32>,
        %swap3A_310 = vector.shape_cast %swap3A_309 : vector<1x16xf32> to vector<16xf32>
        %swap3A_311 = vector.shape_cast %add3A_306 : vector<16xf32> to vector<1x16xf32>
        tpu.vector_store %arg4[%swap3A_307, %swap3A_308], %swap3A_311 {strides = array<i32>} : memref<128x128xf32, #tpu.memory_space<vmem>>, vector<1x16xf32>,
        scf.yield %add3A_236, %add3A_246, %add3A_256, %add3A_266, %add3A_276, %add3A_286, %add3A_296, %add3A_306 : vector<16xf32>, vector<16xf32>, vector<16xf32>, vector<16xf32>, vector<16xf32>, vector<16xf32>, vector<16xf32>, vector<16xf32>
      }
      %scan3A_45 = arith.constant 128 : i32
      %mul3A_46 = arith.constant 128 : i32
      %mul3A_47 = arith.muli %add3A_35, %mul3A_46 : i32
      %dma_start3A_48 = tpu.memref_slice %arg3[%mul3A_47, %mul3A_2] : memref<8192x4096xf32, #tpu.memory_space<hbm>> -> memref<128x128xf32, #tpu.memory_space<hbm>>
      %dma_start3A_49 = tpu.memref_slice %arg3[%mul3A_47, %mul3A_2] : memref<8192x4096xf32, #tpu.memory_space<hbm>> -> memref<128x128xf32, #tpu.memory_space<hbm>>
      tpu.enqueue_dma source(%arg4 : memref<128x128xf32, #tpu.memory_space<vmem>>) target(%dma_start3A_49 : memref<128x128xf32, #tpu.memory_space<hbm>>) target_semaphore(%arg12 : memref<!tpu.dma_semaphore, #tpu.memory_space<semaphore_mem>>)
      %gt3A = arith.constant 0 : i32
      %gt3A_50 = arith.cmpi sgt, %scan3A_23, %gt3A : i32
      %convert_element_type3A = arith.extui %gt3A_50 : i1 to i32
      %cond3A = arith.constant 0 : i32
      %cond3A_51 = arith.cmpi ne, %convert_element_type3A, %cond3A : i32
      scf.if %cond3A_51 {
        %sub3A_143 = arith.constant 2 : i32
        %sub3A_144 = arith.subi %add3A_35, %sub3A_143 : i32
        %mul3A_145 = arith.constant 128 : i32
        %mul3A_146 = arith.muli %sub3A_144, %mul3A_145 : i32
        %dma_wait3A_147 = tpu.memref_slice %arg3[%mul3A_146, %mul3A_2] : memref<8192x4096xf32, #tpu.memory_space<hbm>> -> memref<128x128xf32, #tpu.memory_space<hbm>>
        %dma_wait3A_148 = tpu.memref_slice %arg3[%mul3A_146, %mul3A_2] : memref<8192x4096xf32, #tpu.memory_space<hbm>> -> memref<128x128xf32, #tpu.memory_space<hbm>>
        tpu.wait_dma2 semaphore(%arg14 : memref<!tpu.dma_semaphore, #tpu.memory_space<semaphore_mem>>) src(%arg6 : memref<128x128xf32, #tpu.memory_space<vmem>>) dst(%dma_wait3A_148 : memref<128x128xf32, #tpu.memory_space<hbm>>)
      } else {
      }
      %add3A_52 = arith.constant 2 : i32
      %add3A_53 = arith.addi %add3A_35, %add3A_52 : i32
      %mul3A_54 = arith.constant 128 : i32
      %mul3A_55 = arith.muli %add3A_53, %mul3A_54 : i32
      %dma_start3A_56 = tpu.memref_slice %arg2[%mul3A_55, %mul3A_2] : memref<8192x4096xf32, #tpu.memory_space<hbm>> -> memref<128x128xf32, #tpu.memory_space<hbm>>
      %dma_start3A_57 = tpu.memref_slice %arg2[%mul3A_55, %mul3A_2] : memref<8192x4096xf32, #tpu.memory_space<hbm>> -> memref<128x128xf32, #tpu.memory_space<hbm>>
      tpu.enqueue_dma source(%dma_start3A_57 : memref<128x128xf32, #tpu.memory_space<hbm>>) target(%arg6 : memref<128x128xf32, #tpu.memory_space<vmem>>) target_semaphore(%arg10 : memref<!tpu.dma_semaphore, #tpu.memory_space<semaphore_mem>>)
      %mul3A_58 = arith.constant 4 : i32
      %mul3A_59 = arith.muli %mul3A_58, %scan3A_23 : i32
      %add3A_60 = arith.constant 1 : i32
      %add3A_61 = arith.addi %mul3A_59, %add3A_60 : i32
      %mul3A_62 = arith.constant 128 : i32
      %mul3A_63 = arith.muli %add3A_61, %mul3A_62 : i32
      %dma_wait3A_64 = tpu.memref_slice %arg2[%mul3A_63, %mul3A_2] : memref<8192x4096xf32, #tpu.memory_space<hbm>> -> memref<128x128xf32, #tpu.memory_space<hbm>>
      %dma_wait3A_65 = tpu.memref_slice %arg2[%mul3A_63, %mul3A_2] : memref<8192x4096xf32, #tpu.memory_space<hbm>> -> memref<128x128xf32, #tpu.memory_space<hbm>>
      tpu.wait_dma2 semaphore(%arg9 : memref<!tpu.dma_semaphore, #tpu.memory_space<semaphore_mem>>) src(%dma_wait3A_65 : memref<128x128xf32, #tpu.memory_space<hbm>>) dst(%arg5 : memref<128x128xf32, #tpu.memory_space<vmem>>)
      %scan3A_66 = arith.constant 0 : i32
      %scan3A_67 = arith.constant 128 : i32
      %scan3A_68 = arith.addi %scan3A_66, %scan3A_67 : i32
      %scan3A_69 = arith.constant 2 : i32
      %scan3A_70:8 = scf.for %scan3A_143 = %scan3A_66 to %scan3A_68 step %scan3A_69 iter_args(%scan3A_144 = %scan3A_44#0, %scan3A_145 = %scan3A_44#1, %scan3A_146 = %scan3A_44#2, %scan3A_147 = %scan3A_44#3, %scan3A_148 = %scan3A_44#4, %scan3A_149 = %scan3A_44#5, %scan3A_150 = %scan3A_44#6, %scan3A_151 = %scan3A_44#7) -> (vector<16xf32>, vector<16xf32>, vector<16xf32>, vector<16xf32>, vector<16xf32>, vector<16xf32>, vector<16xf32>, vector<16xf32>)  : i32 {
        %get3A = arith.index_cast %scan3A_143 : i32 to index
        %get3A_152 = arith.constant 0 : index
        %get3A_153 = tpu.vector_load %arg5[%get3A, %get3A_152] {strides = array<i32>} : memref<128x128xf32, #tpu.memory_space<vmem>>, vector<1x16xf32>,
        %get3A_154 = vector.shape_cast %get3A_153 : vector<1x16xf32> to vector<16xf32>
        %add3A_155 = arith.addf %scan3A_144, %get3A_154 : vector<16xf32>
        %swap3A = arith.index_cast %scan3A_143 : i32 to index
        %swap3A_156 = arith.constant 0 : index
        %swap3A_157 = tpu.vector_load %arg5[%swap3A, %swap3A_156] {strides = array<i32>} : memref<128x128xf32, #tpu.memory_space<vmem>>, vector<1x16xf32>,
        %swap3A_158 = vector.shape_cast %swap3A_157 : vector<1x16xf32> to vector<16xf32>
        %swap3A_159 = vector.shape_cast %add3A_155 : vector<16xf32> to vector<1x16xf32>
        tpu.vector_store %arg5[%swap3A, %swap3A_156], %swap3A_159 {strides = array<i32>} : memref<128x128xf32, #tpu.memory_space<vmem>>, vector<1x16xf32>,
        %get3A_160 = arith.index_cast %scan3A_143 : i32 to index
        %get3A_161 = arith.constant 16 : index
        %get3A_162 = tpu.vector_load %arg5[%get3A_160, %get3A_161] {strides = array<i32>} : memref<128x128xf32, #tpu.memory_space<vmem>>, vector<1x16xf32>,
        %get3A_163 = vector.shape_cast %get3A_162 : vector<1x16xf32> to vector<16xf32>
        %add3A_164 = arith.addf %scan3A_145, %get3A_163 : vector<16xf32>
        %swap3A_165 = arith.index_cast %scan3A_143 : i32 to index
        %swap3A_166 = arith.constant 16 : index
        %swap3A_167 = tpu.vector_load %arg5[%swap3A_165, %swap3A_166] {strides = array<i32>} : memref<128x128xf32, #tpu.memory_space<vmem>>, vector<1x16xf32>,
        %swap3A_168 = vector.shape_cast %swap3A_167 : vector<1x16xf32> to vector<16xf32>
        %swap3A_169 = vector.shape_cast %add3A_164 : vector<16xf32> to vector<1x16xf32>
        tpu.vector_store %arg5[%swap3A_165, %swap3A_166], %swap3A_169 {strides = array<i32>} : memref<128x128xf32, #tpu.memory_space<vmem>>, vector<1x16xf32>,
        %get3A_170 = arith.index_cast %scan3A_143 : i32 to index
        %get3A_171 = arith.constant 32 : index
        %get3A_172 = tpu.vector_load %arg5[%get3A_170, %get3A_171] {strides = array<i32>} : memref<128x128xf32, #tpu.memory_space<vmem>>, vector<1x16xf32>,
        %get3A_173 = vector.shape_cast %get3A_172 : vector<1x16xf32> to vector<16xf32>
        %add3A_174 = arith.addf %scan3A_146, %get3A_173 : vector<16xf32>
        %swap3A_175 = arith.index_cast %scan3A_143 : i32 to index
        %swap3A_176 = arith.constant 32 : index
        %swap3A_177 = tpu.vector_load %arg5[%swap3A_175, %swap3A_176] {strides = array<i32>} : memref<128x128xf32, #tpu.memory_space<vmem>>, vector<1x16xf32>,
        %swap3A_178 = vector.shape_cast %swap3A_177 : vector<1x16xf32> to vector<16xf32>
        %swap3A_179 = vector.shape_cast %add3A_174 : vector<16xf32> to vector<1x16xf32>
        tpu.vector_store %arg5[%swap3A_175, %swap3A_176], %swap3A_179 {strides = array<i32>} : memref<128x128xf32, #tpu.memory_space<vmem>>, vector<1x16xf32>,
        %get3A_180 = arith.index_cast %scan3A_143 : i32 to index
        %get3A_181 = arith.constant 48 : index
        %get3A_182 = tpu.vector_load %arg5[%get3A_180, %get3A_181] {strides = array<i32>} : memref<128x128xf32, #tpu.memory_space<vmem>>, vector<1x16xf32>,
        %get3A_183 = vector.shape_cast %get3A_182 : vector<1x16xf32> to vector<16xf32>
        %add3A_184 = arith.addf %scan3A_147, %get3A_183 : vector<16xf32>
        %swap3A_185 = arith.index_cast %scan3A_143 : i32 to index
        %swap3A_186 = arith.constant 48 : index
        %swap3A_187 = tpu.vector_load %arg5[%swap3A_185, %swap3A_186] {strides = array<i32>} : memref<128x128xf32, #tpu.memory_space<vmem>>, vector<1x16xf32>,
        %swap3A_188 = vector.shape_cast %swap3A_187 : vector<1x16xf32> to vector<16xf32>
        %swap3A_189 = vector.shape_cast %add3A_184 : vector<16xf32> to vector<1x16xf32>
        tpu.vector_store %arg5[%swap3A_185, %swap3A_186], %swap3A_189 {strides = array<i32>} : memref<128x128xf32, #tpu.memory_space<vmem>>, vector<1x16xf32>,
        %get3A_190 = arith.index_cast %scan3A_143 : i32 to index
        %get3A_191 = arith.constant 64 : index
        %get3A_192 = tpu.vector_load %arg5[%get3A_190, %get3A_191] {strides = array<i32>} : memref<128x128xf32, #tpu.memory_space<vmem>>, vector<1x16xf32>,
        %get3A_193 = vector.shape_cast %get3A_192 : vector<1x16xf32> to vector<16xf32>
        %add3A_194 = arith.addf %scan3A_148, %get3A_193 : vector<16xf32>
        %swap3A_195 = arith.index_cast %scan3A_143 : i32 to index
        %swap3A_196 = arith.constant 64 : index
        %swap3A_197 = tpu.vector_load %arg5[%swap3A_195, %swap3A_196] {strides = array<i32>} : memref<128x128xf32, #tpu.memory_space<vmem>>, vector<1x16xf32>,
        %swap3A_198 = vector.shape_cast %swap3A_197 : vector<1x16xf32> to vector<16xf32>
        %swap3A_199 = vector.shape_cast %add3A_194 : vector<16xf32> to vector<1x16xf32>
        tpu.vector_store %arg5[%swap3A_195, %swap3A_196], %swap3A_199 {strides = array<i32>} : memref<128x128xf32, #tpu.memory_space<vmem>>, vector<1x16xf32>,
        %get3A_200 = arith.index_cast %scan3A_143 : i32 to index
        %get3A_201 = arith.constant 80 : index
        %get3A_202 = tpu.vector_load %arg5[%get3A_200, %get3A_201] {strides = array<i32>} : memref<128x128xf32, #tpu.memory_space<vmem>>, vector<1x16xf32>,
        %get3A_203 = vector.shape_cast %get3A_202 : vector<1x16xf32> to vector<16xf32>
        %add3A_204 = arith.addf %scan3A_149, %get3A_203 : vector<16xf32>
        %swap3A_205 = arith.index_cast %scan3A_143 : i32 to index
        %swap3A_206 = arith.constant 80 : index
        %swap3A_207 = tpu.vector_load %arg5[%swap3A_205, %swap3A_206] {strides = array<i32>} : memref<128x128xf32, #tpu.memory_space<vmem>>, vector<1x16xf32>,
        %swap3A_208 = vector.shape_cast %swap3A_207 : vector<1x16xf32> to vector<16xf32>
        %swap3A_209 = vector.shape_cast %add3A_204 : vector<16xf32> to vector<1x16xf32>
        tpu.vector_store %arg5[%swap3A_205, %swap3A_206], %swap3A_209 {strides = array<i32>} : memref<128x128xf32, #tpu.memory_space<vmem>>, vector<1x16xf32>,
        %get3A_210 = arith.index_cast %scan3A_143 : i32 to index
        %get3A_211 = arith.constant 96 : index
        %get3A_212 = tpu.vector_load %arg5[%get3A_210, %get3A_211] {strides = array<i32>} : memref<128x128xf32, #tpu.memory_space<vmem>>, vector<1x16xf32>,
        %get3A_213 = vector.shape_cast %get3A_212 : vector<1x16xf32> to vector<16xf32>
        %add3A_214 = arith.addf %scan3A_150, %get3A_213 : vector<16xf32>
        %swap3A_215 = arith.index_cast %scan3A_143 : i32 to index
        %swap3A_216 = arith.constant 96 : index
        %swap3A_217 = tpu.vector_load %arg5[%swap3A_215, %swap3A_216] {strides = array<i32>} : memref<128x128xf32, #tpu.memory_space<vmem>>, vector<1x16xf32>,
        %swap3A_218 = vector.shape_cast %swap3A_217 : vector<1x16xf32> to vector<16xf32>
        %swap3A_219 = vector.shape_cast %add3A_214 : vector<16xf32> to vector<1x16xf32>
        tpu.vector_store %arg5[%swap3A_215, %swap3A_216], %swap3A_219 {strides = array<i32>} : memref<128x128xf32, #tpu.memory_space<vmem>>, vector<1x16xf32>,
        %get3A_220 = arith.index_cast %scan3A_143 : i32 to index
        %get3A_221 = arith.constant 112 : index
        %get3A_222 = tpu.vector_load %arg5[%get3A_220, %get3A_221] {strides = array<i32>} : memref<128x128xf32, #tpu.memory_space<vmem>>, vector<1x16xf32>,
        %get3A_223 = vector.shape_cast %get3A_222 : vector<1x16xf32> to vector<16xf32>
        %add3A_224 = arith.addf %scan3A_151, %get3A_223 : vector<16xf32>
        %swap3A_225 = arith.index_cast %scan3A_143 : i32 to index
        %swap3A_226 = arith.constant 112 : index
        %swap3A_227 = tpu.vector_load %arg5[%swap3A_225, %swap3A_226] {strides = array<i32>} : memref<128x128xf32, #tpu.memory_space<vmem>>, vector<1x16xf32>,
        %swap3A_228 = vector.shape_cast %swap3A_227 : vector<1x16xf32> to vector<16xf32>
        %swap3A_229 = vector.shape_cast %add3A_224 : vector<16xf32> to vector<1x16xf32>
        tpu.vector_store %arg5[%swap3A_225, %swap3A_226], %swap3A_229 {strides = array<i32>} : memref<128x128xf32, #tpu.memory_space<vmem>>, vector<1x16xf32>,
        %scan3A_230 = arith.constant 1 : i32
        %scan3A_231 = arith.addi %scan3A_143, %scan3A_230 : i32
        %get3A_232 = arith.index_cast %scan3A_231 : i32 to index
        %get3A_233 = arith.constant 0 : index
        %get3A_234 = tpu.vector_load %arg5[%get3A_232, %get3A_233] {strides = array<i32>} : memref<128x128xf32, #tpu.memory_space<vmem>>, vector<1x16xf32>,
        %get3A_235 = vector.shape_cast %get3A_234 : vector<1x16xf32> to vector<16xf32>
        %add3A_236 = arith.addf %add3A_155, %get3A_235 : vector<16xf32>
        %swap3A_237 = arith.index_cast %scan3A_231 : i32 to index
        %swap3A_238 = arith.constant 0 : index
        %swap3A_239 = tpu.vector_load %arg5[%swap3A_237, %swap3A_238] {strides = array<i32>} : memref<128x128xf32, #tpu.memory_space<vmem>>, vector<1x16xf32>,
        %swap3A_240 = vector.shape_cast %swap3A_239 : vector<1x16xf32> to vector<16xf32>
        %swap3A_241 = vector.shape_cast %add3A_236 : vector<16xf32> to vector<1x16xf32>
        tpu.vector_store %arg5[%swap3A_237, %swap3A_238], %swap3A_241 {strides = array<i32>} : memref<128x128xf32, #tpu.memory_space<vmem>>, vector<1x16xf32>,
        %get3A_242 = arith.index_cast %scan3A_231 : i32 to index
        %get3A_243 = arith.constant 16 : index
        %get3A_244 = tpu.vector_load %arg5[%get3A_242, %get3A_243] {strides = array<i32>} : memref<128x128xf32, #tpu.memory_space<vmem>>, vector<1x16xf32>,
        %get3A_245 = vector.shape_cast %get3A_244 : vector<1x16xf32> to vector<16xf32>
        %add3A_246 = arith.addf %add3A_164, %get3A_245 : vector<16xf32>
        %swap3A_247 = arith.index_cast %scan3A_231 : i32 to index
        %swap3A_248 = arith.constant 16 : index
        %swap3A_249 = tpu.vector_load %arg5[%swap3A_247, %swap3A_248] {strides = array<i32>} : memref<128x128xf32, #tpu.memory_space<vmem>>, vector<1x16xf32>,
        %swap3A_250 = vector.shape_cast %swap3A_249 : vector<1x16xf32> to vector<16xf32>
        %swap3A_251 = vector.shape_cast %add3A_246 : vector<16xf32> to vector<1x16xf32>
        tpu.vector_store %arg5[%swap3A_247, %swap3A_248], %swap3A_251 {strides = array<i32>} : memref<128x128xf32, #tpu.memory_space<vmem>>, vector<1x16xf32>,
        %get3A_252 = arith.index_cast %scan3A_231 : i32 to index
        %get3A_253 = arith.constant 32 : index
        %get3A_254 = tpu.vector_load %arg5[%get3A_252, %get3A_253] {strides = array<i32>} : memref<128x128xf32, #tpu.memory_space<vmem>>, vector<1x16xf32>,
        %get3A_255 = vector.shape_cast %get3A_254 : vector<1x16xf32> to vector<16xf32>
        %add3A_256 = arith.addf %add3A_174, %get3A_255 : vector<16xf32>
        %swap3A_257 = arith.index_cast %scan3A_231 : i32 to index
        %swap3A_258 = arith.constant 32 : index
        %swap3A_259 = tpu.vector_load %arg5[%swap3A_257, %swap3A_258] {strides = array<i32>} : memref<128x128xf32, #tpu.memory_space<vmem>>, vector<1x16xf32>,
        %swap3A_260 = vector.shape_cast %swap3A_259 : vector<1x16xf32> to vector<16xf32>
        %swap3A_261 = vector.shape_cast %add3A_256 : vector<16xf32> to vector<1x16xf32>
        tpu.vector_store %arg5[%swap3A_257, %swap3A_258], %swap3A_261 {strides = array<i32>} : memref<128x128xf32, #tpu.memory_space<vmem>>, vector<1x16xf32>,
        %get3A_262 = arith.index_cast %scan3A_231 : i32 to index
        %get3A_263 = arith.constant 48 : index
        %get3A_264 = tpu.vector_load %arg5[%get3A_262, %get3A_263] {strides = array<i32>} : memref<128x128xf32, #tpu.memory_space<vmem>>, vector<1x16xf32>,
        %get3A_265 = vector.shape_cast %get3A_264 : vector<1x16xf32> to vector<16xf32>
        %add3A_266 = arith.addf %add3A_184, %get3A_265 : vector<16xf32>
        %swap3A_267 = arith.index_cast %scan3A_231 : i32 to index
        %swap3A_268 = arith.constant 48 : index
        %swap3A_269 = tpu.vector_load %arg5[%swap3A_267, %swap3A_268] {strides = array<i32>} : memref<128x128xf32, #tpu.memory_space<vmem>>, vector<1x16xf32>,
        %swap3A_270 = vector.shape_cast %swap3A_269 : vector<1x16xf32> to vector<16xf32>
        %swap3A_271 = vector.shape_cast %add3A_266 : vector<16xf32> to vector<1x16xf32>
        tpu.vector_store %arg5[%swap3A_267, %swap3A_268], %swap3A_271 {strides = array<i32>} : memref<128x128xf32, #tpu.memory_space<vmem>>, vector<1x16xf32>,
        %get3A_272 = arith.index_cast %scan3A_231 : i32 to index
        %get3A_273 = arith.constant 64 : index
        %get3A_274 = tpu.vector_load %arg5[%get3A_272, %get3A_273] {strides = array<i32>} : memref<128x128xf32, #tpu.memory_space<vmem>>, vector<1x16xf32>,
        %get3A_275 = vector.shape_cast %get3A_274 : vector<1x16xf32> to vector<16xf32>
        %add3A_276 = arith.addf %add3A_194, %get3A_275 : vector<16xf32>
        %swap3A_277 = arith.index_cast %scan3A_231 : i32 to index
        %swap3A_278 = arith.constant 64 : index
        %swap3A_279 = tpu.vector_load %arg5[%swap3A_277, %swap3A_278] {strides = array<i32>} : memref<128x128xf32, #tpu.memory_space<vmem>>, vector<1x16xf32>,
        %swap3A_280 = vector.shape_cast %swap3A_279 : vector<1x16xf32> to vector<16xf32>
        %swap3A_281 = vector.shape_cast %add3A_276 : vector<16xf32> to vector<1x16xf32>
        tpu.vector_store %arg5[%swap3A_277, %swap3A_278], %swap3A_281 {strides = array<i32>} : memref<128x128xf32, #tpu.memory_space<vmem>>, vector<1x16xf32>,
        %get3A_282 = arith.index_cast %scan3A_231 : i32 to index
        %get3A_283 = arith.constant 80 : index
        %get3A_284 = tpu.vector_load %arg5[%get3A_282, %get3A_283] {strides = array<i32>} : memref<128x128xf32, #tpu.memory_space<vmem>>, vector<1x16xf32>,
        %get3A_285 = vector.shape_cast %get3A_284 : vector<1x16xf32> to vector<16xf32>
        %add3A_286 = arith.addf %add3A_204, %get3A_285 : vector<16xf32>
        %swap3A_287 = arith.index_cast %scan3A_231 : i32 to index
        %swap3A_288 = arith.constant 80 : index
        %swap3A_289 = tpu.vector_load %arg5[%swap3A_287, %swap3A_288] {strides = array<i32>} : memref<128x128xf32, #tpu.memory_space<vmem>>, vector<1x16xf32>,
        %swap3A_290 = vector.shape_cast %swap3A_289 : vector<1x16xf32> to vector<16xf32>
        %swap3A_291 = vector.shape_cast %add3A_286 : vector<16xf32> to vector<1x16xf32>
        tpu.vector_store %arg5[%swap3A_287, %swap3A_288], %swap3A_291 {strides = array<i32>} : memref<128x128xf32, #tpu.memory_space<vmem>>, vector<1x16xf32>,
        %get3A_292 = arith.index_cast %scan3A_231 : i32 to index
        %get3A_293 = arith.constant 96 : index
        %get3A_294 = tpu.vector_load %arg5[%get3A_292, %get3A_293] {strides = array<i32>} : memref<128x128xf32, #tpu.memory_space<vmem>>, vector<1x16xf32>,
        %get3A_295 = vector.shape_cast %get3A_294 : vector<1x16xf32> to vector<16xf32>
        %add3A_296 = arith.addf %add3A_214, %get3A_295 : vector<16xf32>
        %swap3A_297 = arith.index_cast %scan3A_231 : i32 to index
        %swap3A_298 = arith.constant 96 : index
        %swap3A_299 = tpu.vector_load %arg5[%swap3A_297, %swap3A_298] {strides = array<i32>} : memref<128x128xf32, #tpu.memory_space<vmem>>, vector<1x16xf32>,
        %swap3A_300 = vector.shape_cast %swap3A_299 : vector<1x16xf32> to vector<16xf32>
        %swap3A_301 = vector.shape_cast %add3A_296 : vector<16xf32> to vector<1x16xf32>
        tpu.vector_store %arg5[%swap3A_297, %swap3A_298], %swap3A_301 {strides = array<i32>} : memref<128x128xf32, #tpu.memory_space<vmem>>, vector<1x16xf32>,
        %get3A_302 = arith.index_cast %scan3A_231 : i32 to index
        %get3A_303 = arith.constant 112 : index
        %get3A_304 = tpu.vector_load %arg5[%get3A_302, %get3A_303] {strides = array<i32>} : memref<128x128xf32, #tpu.memory_space<vmem>>, vector<1x16xf32>,
        %get3A_305 = vector.shape_cast %get3A_304 : vector<1x16xf32> to vector<16xf32>
        %add3A_306 = arith.addf %add3A_224, %get3A_305 : vector<16xf32>
        %swap3A_307 = arith.index_cast %scan3A_231 : i32 to index
        %swap3A_308 = arith.constant 112 : index
        %swap3A_309 = tpu.vector_load %arg5[%swap3A_307, %swap3A_308] {strides = array<i32>} : memref<128x128xf32, #tpu.memory_space<vmem>>, vector<1x16xf32>,
        %swap3A_310 = vector.shape_cast %swap3A_309 : vector<1x16xf32> to vector<16xf32>
        %swap3A_311 = vector.shape_cast %add3A_306 : vector<16xf32> to vector<1x16xf32>
        tpu.vector_store %arg5[%swap3A_307, %swap3A_308], %swap3A_311 {strides = array<i32>} : memref<128x128xf32, #tpu.memory_space<vmem>>, vector<1x16xf32>,
        scf.yield %add3A_236, %add3A_246, %add3A_256, %add3A_266, %add3A_276, %add3A_286, %add3A_296, %add3A_306 : vector<16xf32>, vector<16xf32>, vector<16xf32>, vector<16xf32>, vector<16xf32>, vector<16xf32>, vector<16xf32>, vector<16xf32>
      }
      %scan3A_71 = arith.constant 128 : i32
      %mul3A_72 = arith.constant 128 : i32
      %mul3A_73 = arith.muli %add3A_61, %mul3A_72 : i32
      %dma_start3A_74 = tpu.memref_slice %arg3[%mul3A_73, %mul3A_2] : memref<8192x4096xf32, #tpu.memory_space<hbm>> -> memref<128x128xf32, #tpu.memory_space<hbm>>
      %dma_start3A_75 = tpu.memref_slice %arg3[%mul3A_73, %mul3A_2] : memref<8192x4096xf32, #tpu.memory_space<hbm>> -> memref<128x128xf32, #tpu.memory_space<hbm>>
      tpu.enqueue_dma source(%arg5 : memref<128x128xf32, #tpu.memory_space<vmem>>) target(%dma_start3A_75 : memref<128x128xf32, #tpu.memory_space<hbm>>) target_semaphore(%arg13 : memref<!tpu.dma_semaphore, #tpu.memory_space<semaphore_mem>>)
      %gt3A_76 = arith.constant 0 : i32
      %gt3A_77 = arith.cmpi sgt, %scan3A_23, %gt3A_76 : i32
      %convert_element_type3A_78 = arith.extui %gt3A_77 : i1 to i32
      %cond3A_79 = arith.constant 0 : i32
      %cond3A_80 = arith.cmpi ne, %convert_element_type3A_78, %cond3A_79 : i32
      scf.if %cond3A_80 {
        %sub3A_143 = arith.constant 2 : i32
        %sub3A_144 = arith.subi %add3A_61, %sub3A_143 : i32
        %mul3A_145 = arith.constant 128 : i32
        %mul3A_146 = arith.muli %sub3A_144, %mul3A_145 : i32
        %dma_wait3A_147 = tpu.memref_slice %arg3[%mul3A_146, %mul3A_2] : memref<8192x4096xf32, #tpu.memory_space<hbm>> -> memref<128x128xf32, #tpu.memory_space<hbm>>
        %dma_wait3A_148 = tpu.memref_slice %arg3[%mul3A_146, %mul3A_2] : memref<8192x4096xf32, #tpu.memory_space<hbm>> -> memref<128x128xf32, #tpu.memory_space<hbm>>
        tpu.wait_dma2 semaphore(%arg15 : memref<!tpu.dma_semaphore, #tpu.memory_space<semaphore_mem>>) src(%arg7 : memref<128x128xf32, #tpu.memory_space<vmem>>) dst(%dma_wait3A_148 : memref<128x128xf32, #tpu.memory_space<hbm>>)
      } else {
      }
      %add3A_81 = arith.constant 2 : i32
      %add3A_82 = arith.addi %add3A_61, %add3A_81 : i32
      %mul3A_83 = arith.constant 128 : i32
      %mul3A_84 = arith.muli %add3A_82, %mul3A_83 : i32
      %dma_start3A_85 = tpu.memref_slice %arg2[%mul3A_84, %mul3A_2] : memref<8192x4096xf32, #tpu.memory_space<hbm>> -> memref<128x128xf32, #tpu.memory_space<hbm>>
      %dma_start3A_86 = tpu.memref_slice %arg2[%mul3A_84, %mul3A_2] : memref<8192x4096xf32, #tpu.memory_space<hbm>> -> memref<128x128xf32, #tpu.memory_space<hbm>>
      tpu.enqueue_dma source(%dma_start3A_86 : memref<128x128xf32, #tpu.memory_space<hbm>>) target(%arg7 : memref<128x128xf32, #tpu.memory_space<vmem>>) target_semaphore(%arg11 : memref<!tpu.dma_semaphore, #tpu.memory_space<semaphore_mem>>)
      %mul3A_87 = arith.constant 4 : i32
      %mul3A_88 = arith.muli %mul3A_87, %scan3A_23 : i32
      %add3A_89 = arith.constant 2 : i32
      %add3A_90 = arith.addi %mul3A_88, %add3A_89 : i32
      %mul3A_91 = arith.constant 128 : i32
      %mul3A_92 = arith.muli %add3A_90, %mul3A_91 : i32
      %dma_wait3A_93 = tpu.memref_slice %arg2[%mul3A_92, %mul3A_2] : memref<8192x4096xf32, #tpu.memory_space<hbm>> -> memref<128x128xf32, #tpu.memory_space<hbm>>
      %dma_wait3A_94 = tpu.memref_slice %arg2[%mul3A_92, %mul3A_2] : memref<8192x4096xf32, #tpu.memory_space<hbm>> -> memref<128x128xf32, #tpu.memory_space<hbm>>
      tpu.wait_dma2 semaphore(%arg10 : memref<!tpu.dma_semaphore, #tpu.memory_space<semaphore_mem>>) src(%dma_wait3A_94 : memref<128x128xf32, #tpu.memory_space<hbm>>) dst(%arg6 : memref<128x128xf32, #tpu.memory_space<vmem>>)
      %scan3A_95 = arith.constant 0 : i32
      %scan3A_96 = arith.constant 128 : i32
      %scan3A_97 = arith.addi %scan3A_95, %scan3A_96 : i32
      %scan3A_98 = arith.constant 2 : i32
      %scan3A_99:8 = scf.for %scan3A_143 = %scan3A_95 to %scan3A_97 step %scan3A_98 iter_args(%scan3A_144 = %scan3A_70#0, %scan3A_145 = %scan3A_70#1, %scan3A_146 = %scan3A_70#2, %scan3A_147 = %scan3A_70#3, %scan3A_148 = %scan3A_70#4, %scan3A_149 = %scan3A_70#5, %scan3A_150 = %scan3A_70#6, %scan3A_151 = %scan3A_70#7) -> (vector<16xf32>, vector<16xf32>, vector<16xf32>, vector<16xf32>, vector<16xf32>, vector<16xf32>, vector<16xf32>, vector<16xf32>)  : i32 {
        %get3A = arith.index_cast %scan3A_143 : i32 to index
        %get3A_152 = arith.constant 0 : index
        %get3A_153 = tpu.vector_load %arg6[%get3A, %get3A_152] {strides = array<i32>} : memref<128x128xf32, #tpu.memory_space<vmem>>, vector<1x16xf32>,
        %get3A_154 = vector.shape_cast %get3A_153 : vector<1x16xf32> to vector<16xf32>
        %add3A_155 = arith.addf %scan3A_144, %get3A_154 : vector<16xf32>
        %swap3A = arith.index_cast %scan3A_143 : i32 to index
        %swap3A_156 = arith.constant 0 : index
        %swap3A_157 = tpu.vector_load %arg6[%swap3A, %swap3A_156] {strides = array<i32>} : memref<128x128xf32, #tpu.memory_space<vmem>>, vector<1x16xf32>,
        %swap3A_158 = vector.shape_cast %swap3A_157 : vector<1x16xf32> to vector<16xf32>
        %swap3A_159 = vector.shape_cast %add3A_155 : vector<16xf32> to vector<1x16xf32>
        tpu.vector_store %arg6[%swap3A, %swap3A_156], %swap3A_159 {strides = array<i32>} : memref<128x128xf32, #tpu.memory_space<vmem>>, vector<1x16xf32>,
        %get3A_160 = arith.index_cast %scan3A_143 : i32 to index
        %get3A_161 = arith.constant 16 : index
        %get3A_162 = tpu.vector_load %arg6[%get3A_160, %get3A_161] {strides = array<i32>} : memref<128x128xf32, #tpu.memory_space<vmem>>, vector<1x16xf32>,
        %get3A_163 = vector.shape_cast %get3A_162 : vector<1x16xf32> to vector<16xf32>
        %add3A_164 = arith.addf %scan3A_145, %get3A_163 : vector<16xf32>
        %swap3A_165 = arith.index_cast %scan3A_143 : i32 to index
        %swap3A_166 = arith.constant 16 : index
        %swap3A_167 = tpu.vector_load %arg6[%swap3A_165, %swap3A_166] {strides = array<i32>} : memref<128x128xf32, #tpu.memory_space<vmem>>, vector<1x16xf32>,
        %swap3A_168 = vector.shape_cast %swap3A_167 : vector<1x16xf32> to vector<16xf32>
        %swap3A_169 = vector.shape_cast %add3A_164 : vector<16xf32> to vector<1x16xf32>
        tpu.vector_store %arg6[%swap3A_165, %swap3A_166], %swap3A_169 {strides = array<i32>} : memref<128x128xf32, #tpu.memory_space<vmem>>, vector<1x16xf32>,
        %get3A_170 = arith.index_cast %scan3A_143 : i32 to index
        %get3A_171 = arith.constant 32 : index
        %get3A_172 = tpu.vector_load %arg6[%get3A_170, %get3A_171] {strides = array<i32>} : memref<128x128xf32, #tpu.memory_space<vmem>>, vector<1x16xf32>,
        %get3A_173 = vector.shape_cast %get3A_172 : vector<1x16xf32> to vector<16xf32>
        %add3A_174 = arith.addf %scan3A_146, %get3A_173 : vector<16xf32>
        %swap3A_175 = arith.index_cast %scan3A_143 : i32 to index
        %swap3A_176 = arith.constant 32 : index
        %swap3A_177 = tpu.vector_load %arg6[%swap3A_175, %swap3A_176] {strides = array<i32>} : memref<128x128xf32, #tpu.memory_space<vmem>>, vector<1x16xf32>,
        %swap3A_178 = vector.shape_cast %swap3A_177 : vector<1x16xf32> to vector<16xf32>
        %swap3A_179 = vector.shape_cast %add3A_174 : vector<16xf32> to vector<1x16xf32>
        tpu.vector_store %arg6[%swap3A_175, %swap3A_176], %swap3A_179 {strides = array<i32>} : memref<128x128xf32, #tpu.memory_space<vmem>>, vector<1x16xf32>,
        %get3A_180 = arith.index_cast %scan3A_143 : i32 to index
        %get3A_181 = arith.constant 48 : index
        %get3A_182 = tpu.vector_load %arg6[%get3A_180, %get3A_181] {strides = array<i32>} : memref<128x128xf32, #tpu.memory_space<vmem>>, vector<1x16xf32>,
        %get3A_183 = vector.shape_cast %get3A_182 : vector<1x16xf32> to vector<16xf32>
        %add3A_184 = arith.addf %scan3A_147, %get3A_183 : vector<16xf32>
        %swap3A_185 = arith.index_cast %scan3A_143 : i32 to index
        %swap3A_186 = arith.constant 48 : index
        %swap3A_187 = tpu.vector_load %arg6[%swap3A_185, %swap3A_186] {strides = array<i32>} : memref<128x128xf32, #tpu.memory_space<vmem>>, vector<1x16xf32>,
        %swap3A_188 = vector.shape_cast %swap3A_187 : vector<1x16xf32> to vector<16xf32>
        %swap3A_189 = vector.shape_cast %add3A_184 : vector<16xf32> to vector<1x16xf32>
        tpu.vector_store %arg6[%swap3A_185, %swap3A_186], %swap3A_189 {strides = array<i32>} : memref<128x128xf32, #tpu.memory_space<vmem>>, vector<1x16xf32>,
        %get3A_190 = arith.index_cast %scan3A_143 : i32 to index
        %get3A_191 = arith.constant 64 : index
        %get3A_192 = tpu.vector_load %arg6[%get3A_190, %get3A_191] {strides = array<i32>} : memref<128x128xf32, #tpu.memory_space<vmem>>, vector<1x16xf32>,
        %get3A_193 = vector.shape_cast %get3A_192 : vector<1x16xf32> to vector<16xf32>
        %add3A_194 = arith.addf %scan3A_148, %get3A_193 : vector<16xf32>
        %swap3A_195 = arith.index_cast %scan3A_143 : i32 to index
        %swap3A_196 = arith.constant 64 : index
        %swap3A_197 = tpu.vector_load %arg6[%swap3A_195, %swap3A_196] {strides = array<i32>} : memref<128x128xf32, #tpu.memory_space<vmem>>, vector<1x16xf32>,
        %swap3A_198 = vector.shape_cast %swap3A_197 : vector<1x16xf32> to vector<16xf32>
        %swap3A_199 = vector.shape_cast %add3A_194 : vector<16xf32> to vector<1x16xf32>
        tpu.vector_store %arg6[%swap3A_195, %swap3A_196], %swap3A_199 {strides = array<i32>} : memref<128x128xf32, #tpu.memory_space<vmem>>, vector<1x16xf32>,
        %get3A_200 = arith.index_cast %scan3A_143 : i32 to index
        %get3A_201 = arith.constant 80 : index
        %get3A_202 = tpu.vector_load %arg6[%get3A_200, %get3A_201] {strides = array<i32>} : memref<128x128xf32, #tpu.memory_space<vmem>>, vector<1x16xf32>,
        %get3A_203 = vector.shape_cast %get3A_202 : vector<1x16xf32> to vector<16xf32>
        %add3A_204 = arith.addf %scan3A_149, %get3A_203 : vector<16xf32>
        %swap3A_205 = arith.index_cast %scan3A_143 : i32 to index
        %swap3A_206 = arith.constant 80 : index
        %swap3A_207 = tpu.vector_load %arg6[%swap3A_205, %swap3A_206] {strides = array<i32>} : memref<128x128xf32, #tpu.memory_space<vmem>>, vector<1x16xf32>,
        %swap3A_208 = vector.shape_cast %swap3A_207 : vector<1x16xf32> to vector<16xf32>
        %swap3A_209 = vector.shape_cast %add3A_204 : vector<16xf32> to vector<1x16xf32>
        tpu.vector_store %arg6[%swap3A_205, %swap3A_206], %swap3A_209 {strides = array<i32>} : memref<128x128xf32, #tpu.memory_space<vmem>>, vector<1x16xf32>,
        %get3A_210 = arith.index_cast %scan3A_143 : i32 to index
        %get3A_211 = arith.constant 96 : index
        %get3A_212 = tpu.vector_load %arg6[%get3A_210, %get3A_211] {strides = array<i32>} : memref<128x128xf32, #tpu.memory_space<vmem>>, vector<1x16xf32>,
        %get3A_213 = vector.shape_cast %get3A_212 : vector<1x16xf32> to vector<16xf32>
        %add3A_214 = arith.addf %scan3A_150, %get3A_213 : vector<16xf32>
        %swap3A_215 = arith.index_cast %scan3A_143 : i32 to index
        %swap3A_216 = arith.constant 96 : index
        %swap3A_217 = tpu.vector_load %arg6[%swap3A_215, %swap3A_216] {strides = array<i32>} : memref<128x128xf32, #tpu.memory_space<vmem>>, vector<1x16xf32>,
        %swap3A_218 = vector.shape_cast %swap3A_217 : vector<1x16xf32> to vector<16xf32>
        %swap3A_219 = vector.shape_cast %add3A_214 : vector<16xf32> to vector<1x16xf32>
        tpu.vector_store %arg6[%swap3A_215, %swap3A_216], %swap3A_219 {strides = array<i32>} : memref<128x128xf32, #tpu.memory_space<vmem>>, vector<1x16xf32>,
        %get3A_220 = arith.index_cast %scan3A_143 : i32 to index
        %get3A_221 = arith.constant 112 : index
        %get3A_222 = tpu.vector_load %arg6[%get3A_220, %get3A_221] {strides = array<i32>} : memref<128x128xf32, #tpu.memory_space<vmem>>, vector<1x16xf32>,
        %get3A_223 = vector.shape_cast %get3A_222 : vector<1x16xf32> to vector<16xf32>
        %add3A_224 = arith.addf %scan3A_151, %get3A_223 : vector<16xf32>
        %swap3A_225 = arith.index_cast %scan3A_143 : i32 to index
        %swap3A_226 = arith.constant 112 : index
        %swap3A_227 = tpu.vector_load %arg6[%swap3A_225, %swap3A_226] {strides = array<i32>} : memref<128x128xf32, #tpu.memory_space<vmem>>, vector<1x16xf32>,
        %swap3A_228 = vector.shape_cast %swap3A_227 : vector<1x16xf32> to vector<16xf32>
        %swap3A_229 = vector.shape_cast %add3A_224 : vector<16xf32> to vector<1x16xf32>
        tpu.vector_store %arg6[%swap3A_225, %swap3A_226], %swap3A_229 {strides = array<i32>} : memref<128x128xf32, #tpu.memory_space<vmem>>, vector<1x16xf32>,
        %scan3A_230 = arith.constant 1 : i32
        %scan3A_231 = arith.addi %scan3A_143, %scan3A_230 : i32
        %get3A_232 = arith.index_cast %scan3A_231 : i32 to index
        %get3A_233 = arith.constant 0 : index
        %get3A_234 = tpu.vector_load %arg6[%get3A_232, %get3A_233] {strides = array<i32>} : memref<128x128xf32, #tpu.memory_space<vmem>>, vector<1x16xf32>,
        %get3A_235 = vector.shape_cast %get3A_234 : vector<1x16xf32> to vector<16xf32>
        %add3A_236 = arith.addf %add3A_155, %get3A_235 : vector<16xf32>
        %swap3A_237 = arith.index_cast %scan3A_231 : i32 to index
        %swap3A_238 = arith.constant 0 : index
        %swap3A_239 = tpu.vector_load %arg6[%swap3A_237, %swap3A_238] {strides = array<i32>} : memref<128x128xf32, #tpu.memory_space<vmem>>, vector<1x16xf32>,
        %swap3A_240 = vector.shape_cast %swap3A_239 : vector<1x16xf32> to vector<16xf32>
        %swap3A_241 = vector.shape_cast %add3A_236 : vector<16xf32> to vector<1x16xf32>
        tpu.vector_store %arg6[%swap3A_237, %swap3A_238], %swap3A_241 {strides = array<i32>} : memref<128x128xf32, #tpu.memory_space<vmem>>, vector<1x16xf32>,
        %get3A_242 = arith.index_cast %scan3A_231 : i32 to index
        %get3A_243 = arith.constant 16 : index
        %get3A_244 = tpu.vector_load %arg6[%get3A_242, %get3A_243] {strides = array<i32>} : memref<128x128xf32, #tpu.memory_space<vmem>>, vector<1x16xf32>,
        %get3A_245 = vector.shape_cast %get3A_244 : vector<1x16xf32> to vector<16xf32>
        %add3A_246 = arith.addf %add3A_164, %get3A_245 : vector<16xf32>
        %swap3A_247 = arith.index_cast %scan3A_231 : i32 to index
        %swap3A_248 = arith.constant 16 : index
        %swap3A_249 = tpu.vector_load %arg6[%swap3A_247, %swap3A_248] {strides = array<i32>} : memref<128x128xf32, #tpu.memory_space<vmem>>, vector<1x16xf32>,
        %swap3A_250 = vector.shape_cast %swap3A_249 : vector<1x16xf32> to vector<16xf32>
        %swap3A_251 = vector.shape_cast %add3A_246 : vector<16xf32> to vector<1x16xf32>
        tpu.vector_store %arg6[%swap3A_247, %swap3A_248], %swap3A_251 {strides = array<i32>} : memref<128x128xf32, #tpu.memory_space<vmem>>, vector<1x16xf32>,
        %get3A_252 = arith.index_cast %scan3A_231 : i32 to index
        %get3A_253 = arith.constant 32 : index
        %get3A_254 = tpu.vector_load %arg6[%get3A_252, %get3A_253] {strides = array<i32>} : memref<128x128xf32, #tpu.memory_space<vmem>>, vector<1x16xf32>,
        %get3A_255 = vector.shape_cast %get3A_254 : vector<1x16xf32> to vector<16xf32>
        %add3A_256 = arith.addf %add3A_174, %get3A_255 : vector<16xf32>
        %swap3A_257 = arith.index_cast %scan3A_231 : i32 to index
        %swap3A_258 = arith.constant 32 : index
        %swap3A_259 = tpu.vector_load %arg6[%swap3A_257, %swap3A_258] {strides = array<i32>} : memref<128x128xf32, #tpu.memory_space<vmem>>, vector<1x16xf32>,
        %swap3A_260 = vector.shape_cast %swap3A_259 : vector<1x16xf32> to vector<16xf32>
        %swap3A_261 = vector.shape_cast %add3A_256 : vector<16xf32> to vector<1x16xf32>
        tpu.vector_store %arg6[%swap3A_257, %swap3A_258], %swap3A_261 {strides = array<i32>} : memref<128x128xf32, #tpu.memory_space<vmem>>, vector<1x16xf32>,
        %get3A_262 = arith.index_cast %scan3A_231 : i32 to index
        %get3A_263 = arith.constant 48 : index
        %get3A_264 = tpu.vector_load %arg6[%get3A_262, %get3A_263] {strides = array<i32>} : memref<128x128xf32, #tpu.memory_space<vmem>>, vector<1x16xf32>,
        %get3A_265 = vector.shape_cast %get3A_264 : vector<1x16xf32> to vector<16xf32>
        %add3A_266 = arith.addf %add3A_184, %get3A_265 : vector<16xf32>
        %swap3A_267 = arith.index_cast %scan3A_231 : i32 to index
        %swap3A_268 = arith.constant 48 : index
        %swap3A_269 = tpu.vector_load %arg6[%swap3A_267, %swap3A_268] {strides = array<i32>} : memref<128x128xf32, #tpu.memory_space<vmem>>, vector<1x16xf32>,
        %swap3A_270 = vector.shape_cast %swap3A_269 : vector<1x16xf32> to vector<16xf32>
        %swap3A_271 = vector.shape_cast %add3A_266 : vector<16xf32> to vector<1x16xf32>
        tpu.vector_store %arg6[%swap3A_267, %swap3A_268], %swap3A_271 {strides = array<i32>} : memref<128x128xf32, #tpu.memory_space<vmem>>, vector<1x16xf32>,
        %get3A_272 = arith.index_cast %scan3A_231 : i32 to index
        %get3A_273 = arith.constant 64 : index
        %get3A_274 = tpu.vector_load %arg6[%get3A_272, %get3A_273] {strides = array<i32>} : memref<128x128xf32, #tpu.memory_space<vmem>>, vector<1x16xf32>,
        %get3A_275 = vector.shape_cast %get3A_274 : vector<1x16xf32> to vector<16xf32>
        %add3A_276 = arith.addf %add3A_194, %get3A_275 : vector<16xf32>
        %swap3A_277 = arith.index_cast %scan3A_231 : i32 to index
        %swap3A_278 = arith.constant 64 : index
        %swap3A_279 = tpu.vector_load %arg6[%swap3A_277, %swap3A_278] {strides = array<i32>} : memref<128x128xf32, #tpu.memory_space<vmem>>, vector<1x16xf32>,
        %swap3A_280 = vector.shape_cast %swap3A_279 : vector<1x16xf32> to vector<16xf32>
        %swap3A_281 = vector.shape_cast %add3A_276 : vector<16xf32> to vector<1x16xf32>
        tpu.vector_store %arg6[%swap3A_277, %swap3A_278], %swap3A_281 {strides = array<i32>} : memref<128x128xf32, #tpu.memory_space<vmem>>, vector<1x16xf32>,
        %get3A_282 = arith.index_cast %scan3A_231 : i32 to index
        %get3A_283 = arith.constant 80 : index
        %get3A_284 = tpu.vector_load %arg6[%get3A_282, %get3A_283] {strides = array<i32>} : memref<128x128xf32, #tpu.memory_space<vmem>>, vector<1x16xf32>,
        %get3A_285 = vector.shape_cast %get3A_284 : vector<1x16xf32> to vector<16xf32>
        %add3A_286 = arith.addf %add3A_204, %get3A_285 : vector<16xf32>
        %swap3A_287 = arith.index_cast %scan3A_231 : i32 to index
        %swap3A_288 = arith.constant 80 : index
        %swap3A_289 = tpu.vector_load %arg6[%swap3A_287, %swap3A_288] {strides = array<i32>} : memref<128x128xf32, #tpu.memory_space<vmem>>, vector<1x16xf32>,
        %swap3A_290 = vector.shape_cast %swap3A_289 : vector<1x16xf32> to vector<16xf32>
        %swap3A_291 = vector.shape_cast %add3A_286 : vector<16xf32> to vector<1x16xf32>
        tpu.vector_store %arg6[%swap3A_287, %swap3A_288], %swap3A_291 {strides = array<i32>} : memref<128x128xf32, #tpu.memory_space<vmem>>, vector<1x16xf32>,
        %get3A_292 = arith.index_cast %scan3A_231 : i32 to index
        %get3A_293 = arith.constant 96 : index
        %get3A_294 = tpu.vector_load %arg6[%get3A_292, %get3A_293] {strides = array<i32>} : memref<128x128xf32, #tpu.memory_space<vmem>>, vector<1x16xf32>,
        %get3A_295 = vector.shape_cast %get3A_294 : vector<1x16xf32> to vector<16xf32>
        %add3A_296 = arith.addf %add3A_214, %get3A_295 : vector<16xf32>
        %swap3A_297 = arith.index_cast %scan3A_231 : i32 to index
        %swap3A_298 = arith.constant 96 : index
        %swap3A_299 = tpu.vector_load %arg6[%swap3A_297, %swap3A_298] {strides = array<i32>} : memref<128x128xf32, #tpu.memory_space<vmem>>, vector<1x16xf32>,
        %swap3A_300 = vector.shape_cast %swap3A_299 : vector<1x16xf32> to vector<16xf32>
        %swap3A_301 = vector.shape_cast %add3A_296 : vector<16xf32> to vector<1x16xf32>
        tpu.vector_store %arg6[%swap3A_297, %swap3A_298], %swap3A_301 {strides = array<i32>} : memref<128x128xf32, #tpu.memory_space<vmem>>, vector<1x16xf32>,
        %get3A_302 = arith.index_cast %scan3A_231 : i32 to index
        %get3A_303 = arith.constant 112 : index
        %get3A_304 = tpu.vector_load %arg6[%get3A_302, %get3A_303] {strides = array<i32>} : memref<128x128xf32, #tpu.memory_space<vmem>>, vector<1x16xf32>,
        %get3A_305 = vector.shape_cast %get3A_304 : vector<1x16xf32> to vector<16xf32>
        %add3A_306 = arith.addf %add3A_224, %get3A_305 : vector<16xf32>
        %swap3A_307 = arith.index_cast %scan3A_231 : i32 to index
        %swap3A_308 = arith.constant 112 : index
        %swap3A_309 = tpu.vector_load %arg6[%swap3A_307, %swap3A_308] {strides = array<i32>} : memref<128x128xf32, #tpu.memory_space<vmem>>, vector<1x16xf32>,
        %swap3A_310 = vector.shape_cast %swap3A_309 : vector<1x16xf32> to vector<16xf32>
        %swap3A_311 = vector.shape_cast %add3A_306 : vector<16xf32> to vector<1x16xf32>
        tpu.vector_store %arg6[%swap3A_307, %swap3A_308], %swap3A_311 {strides = array<i32>} : memref<128x128xf32, #tpu.memory_space<vmem>>, vector<1x16xf32>,
        scf.yield %add3A_236, %add3A_246, %add3A_256, %add3A_266, %add3A_276, %add3A_286, %add3A_296, %add3A_306 : vector<16xf32>, vector<16xf32>, vector<16xf32>, vector<16xf32>, vector<16xf32>, vector<16xf32>, vector<16xf32>, vector<16xf32>
      }
      %scan3A_100 = arith.constant 128 : i32
      %mul3A_101 = arith.constant 128 : i32
      %mul3A_102 = arith.muli %add3A_90, %mul3A_101 : i32
      %dma_start3A_103 = tpu.memref_slice %arg3[%mul3A_102, %mul3A_2] : memref<8192x4096xf32, #tpu.memory_space<hbm>> -> memref<128x128xf32, #tpu.memory_space<hbm>>
      %dma_start3A_104 = tpu.memref_slice %arg3[%mul3A_102, %mul3A_2] : memref<8192x4096xf32, #tpu.memory_space<hbm>> -> memref<128x128xf32, #tpu.memory_space<hbm>>
      tpu.enqueue_dma source(%arg6 : memref<128x128xf32, #tpu.memory_space<vmem>>) target(%dma_start3A_104 : memref<128x128xf32, #tpu.memory_space<hbm>>) target_semaphore(%arg14 : memref<!tpu.dma_semaphore, #tpu.memory_space<semaphore_mem>>)
      %sub3A = arith.constant 2 : i32
      %sub3A_105 = arith.subi %add3A_90, %sub3A : i32
      %mul3A_106 = arith.constant 128 : i32
      %mul3A_107 = arith.muli %sub3A_105, %mul3A_106 : i32
      %dma_wait3A_108 = tpu.memref_slice %arg3[%mul3A_107, %mul3A_2] : memref<8192x4096xf32, #tpu.memory_space<hbm>> -> memref<128x128xf32, #tpu.memory_space<hbm>>
      %dma_wait3A_109 = tpu.memref_slice %arg3[%mul3A_107, %mul3A_2] : memref<8192x4096xf32, #tpu.memory_space<hbm>> -> memref<128x128xf32, #tpu.memory_space<hbm>>
      tpu.wait_dma2 semaphore(%arg12 : memref<!tpu.dma_semaphore, #tpu.memory_space<semaphore_mem>>) src(%arg4 : memref<128x128xf32, #tpu.memory_space<vmem>>) dst(%dma_wait3A_109 : memref<128x128xf32, #tpu.memory_space<hbm>>)
      %lt3A = arith.constant 15 : i32
      %lt3A_110 = arith.cmpi slt, %scan3A_23, %lt3A : i32
      %convert_element_type3A_111 = arith.extui %lt3A_110 : i1 to i32
      %cond3A_112 = arith.constant 0 : i32
      %cond3A_113 = arith.cmpi ne, %convert_element_type3A_111, %cond3A_112 : i32
      scf.if %cond3A_113 {
        %add3A_143 = arith.constant 2 : i32
        %add3A_144 = arith.addi %add3A_90, %add3A_143 : i32
        %mul3A_145 = arith.constant 128 : i32
        %mul3A_146 = arith.muli %add3A_144, %mul3A_145 : i32
        %dma_start3A_147 = tpu.memref_slice %arg2[%mul3A_146, %mul3A_2] : memref<8192x4096xf32, #tpu.memory_space<hbm>> -> memref<128x128xf32, #tpu.memory_space<hbm>>
        %dma_start3A_148 = tpu.memref_slice %arg2[%mul3A_146, %mul3A_2] : memref<8192x4096xf32, #tpu.memory_space<hbm>> -> memref<128x128xf32, #tpu.memory_space<hbm>>
        tpu.enqueue_dma source(%dma_start3A_148 : memref<128x128xf32, #tpu.memory_space<hbm>>) target(%arg4 : memref<128x128xf32, #tpu.memory_space<vmem>>) target_semaphore(%arg8 : memref<!tpu.dma_semaphore, #tpu.memory_space<semaphore_mem>>)
      } else {
      }
      %mul3A_114 = arith.constant 4 : i32
      %mul3A_115 = arith.muli %mul3A_114, %scan3A_23 : i32
      %add3A_116 = arith.constant 3 : i32
      %add3A_117 = arith.addi %mul3A_115, %add3A_116 : i32
      %mul3A_118 = arith.constant 128 : i32
      %mul3A_119 = arith.muli %add3A_117, %mul3A_118 : i32
      %dma_wait3A_120 = tpu.memref_slice %arg2[%mul3A_119, %mul3A_2] : memref<8192x4096xf32, #tpu.memory_space<hbm>> -> memref<128x128xf32, #tpu.memory_space<hbm>>
      %dma_wait3A_121 = tpu.memref_slice %arg2[%mul3A_119, %mul3A_2] : memref<8192x4096xf32, #tpu.memory_space<hbm>> -> memref<128x128xf32, #tpu.memory_space<hbm>>
      tpu.wait_dma2 semaphore(%arg11 : memref<!tpu.dma_semaphore, #tpu.memory_space<semaphore_mem>>) src(%dma_wait3A_121 : memref<128x128xf32, #tpu.memory_space<hbm>>) dst(%arg7 : memref<128x128xf32, #tpu.memory_space<vmem>>)
      %scan3A_122 = arith.constant 0 : i32
      %scan3A_123 = arith.constant 128 : i32
      %scan3A_124 = arith.addi %scan3A_122, %scan3A_123 : i32
      %scan3A_125 = arith.constant 2 : i32
      %scan3A_126:8 = scf.for %scan3A_143 = %scan3A_122 to %scan3A_124 step %scan3A_125 iter_args(%scan3A_144 = %scan3A_99#0, %scan3A_145 = %scan3A_99#1, %scan3A_146 = %scan3A_99#2, %scan3A_147 = %scan3A_99#3, %scan3A_148 = %scan3A_99#4, %scan3A_149 = %scan3A_99#5, %scan3A_150 = %scan3A_99#6, %scan3A_151 = %scan3A_99#7) -> (vector<16xf32>, vector<16xf32>, vector<16xf32>, vector<16xf32>, vector<16xf32>, vector<16xf32>, vector<16xf32>, vector<16xf32>)  : i32 {
        %get3A = arith.index_cast %scan3A_143 : i32 to index
        %get3A_152 = arith.constant 0 : index
        %get3A_153 = tpu.vector_load %arg7[%get3A, %get3A_152] {strides = array<i32>} : memref<128x128xf32, #tpu.memory_space<vmem>>, vector<1x16xf32>,
        %get3A_154 = vector.shape_cast %get3A_153 : vector<1x16xf32> to vector<16xf32>
        %add3A_155 = arith.addf %scan3A_144, %get3A_154 : vector<16xf32>
        %swap3A = arith.index_cast %scan3A_143 : i32 to index
        %swap3A_156 = arith.constant 0 : index
        %swap3A_157 = tpu.vector_load %arg7[%swap3A, %swap3A_156] {strides = array<i32>} : memref<128x128xf32, #tpu.memory_space<vmem>>, vector<1x16xf32>,
        %swap3A_158 = vector.shape_cast %swap3A_157 : vector<1x16xf32> to vector<16xf32>
        %swap3A_159 = vector.shape_cast %add3A_155 : vector<16xf32> to vector<1x16xf32>
        tpu.vector_store %arg7[%swap3A, %swap3A_156], %swap3A_159 {strides = array<i32>} : memref<128x128xf32, #tpu.memory_space<vmem>>, vector<1x16xf32>,
        %get3A_160 = arith.index_cast %scan3A_143 : i32 to index
        %get3A_161 = arith.constant 16 : index
        %get3A_162 = tpu.vector_load %arg7[%get3A_160, %get3A_161] {strides = array<i32>} : memref<128x128xf32, #tpu.memory_space<vmem>>, vector<1x16xf32>,
        %get3A_163 = vector.shape_cast %get3A_162 : vector<1x16xf32> to vector<16xf32>
        %add3A_164 = arith.addf %scan3A_145, %get3A_163 : vector<16xf32>
        %swap3A_165 = arith.index_cast %scan3A_143 : i32 to index
        %swap3A_166 = arith.constant 16 : index
        %swap3A_167 = tpu.vector_load %arg7[%swap3A_165, %swap3A_166] {strides = array<i32>} : memref<128x128xf32, #tpu.memory_space<vmem>>, vector<1x16xf32>,
        %swap3A_168 = vector.shape_cast %swap3A_167 : vector<1x16xf32> to vector<16xf32>
        %swap3A_169 = vector.shape_cast %add3A_164 : vector<16xf32> to vector<1x16xf32>
        tpu.vector_store %arg7[%swap3A_165, %swap3A_166], %swap3A_169 {strides = array<i32>} : memref<128x128xf32, #tpu.memory_space<vmem>>, vector<1x16xf32>,
        %get3A_170 = arith.index_cast %scan3A_143 : i32 to index
        %get3A_171 = arith.constant 32 : index
        %get3A_172 = tpu.vector_load %arg7[%get3A_170, %get3A_171] {strides = array<i32>} : memref<128x128xf32, #tpu.memory_space<vmem>>, vector<1x16xf32>,
        %get3A_173 = vector.shape_cast %get3A_172 : vector<1x16xf32> to vector<16xf32>
        %add3A_174 = arith.addf %scan3A_146, %get3A_173 : vector<16xf32>
        %swap3A_175 = arith.index_cast %scan3A_143 : i32 to index
        %swap3A_176 = arith.constant 32 : index
        %swap3A_177 = tpu.vector_load %arg7[%swap3A_175, %swap3A_176] {strides = array<i32>} : memref<128x128xf32, #tpu.memory_space<vmem>>, vector<1x16xf32>,
        %swap3A_178 = vector.shape_cast %swap3A_177 : vector<1x16xf32> to vector<16xf32>
        %swap3A_179 = vector.shape_cast %add3A_174 : vector<16xf32> to vector<1x16xf32>
        tpu.vector_store %arg7[%swap3A_175, %swap3A_176], %swap3A_179 {strides = array<i32>} : memref<128x128xf32, #tpu.memory_space<vmem>>, vector<1x16xf32>,
        %get3A_180 = arith.index_cast %scan3A_143 : i32 to index
        %get3A_181 = arith.constant 48 : index
        %get3A_182 = tpu.vector_load %arg7[%get3A_180, %get3A_181] {strides = array<i32>} : memref<128x128xf32, #tpu.memory_space<vmem>>, vector<1x16xf32>,
        %get3A_183 = vector.shape_cast %get3A_182 : vector<1x16xf32> to vector<16xf32>
        %add3A_184 = arith.addf %scan3A_147, %get3A_183 : vector<16xf32>
        %swap3A_185 = arith.index_cast %scan3A_143 : i32 to index
        %swap3A_186 = arith.constant 48 : index
        %swap3A_187 = tpu.vector_load %arg7[%swap3A_185, %swap3A_186] {strides = array<i32>} : memref<128x128xf32, #tpu.memory_space<vmem>>, vector<1x16xf32>,
        %swap3A_188 = vector.shape_cast %swap3A_187 : vector<1x16xf32> to vector<16xf32>
        %swap3A_189 = vector.shape_cast %add3A_184 : vector<16xf32> to vector<1x16xf32>
        tpu.vector_store %arg7[%swap3A_185, %swap3A_186], %swap3A_189 {strides = array<i32>} : memref<128x128xf32, #tpu.memory_space<vmem>>, vector<1x16xf32>,
        %get3A_190 = arith.index_cast %scan3A_143 : i32 to index
        %get3A_191 = arith.constant 64 : index
        %get3A_192 = tpu.vector_load %arg7[%get3A_190, %get3A_191] {strides = array<i32>} : memref<128x128xf32, #tpu.memory_space<vmem>>, vector<1x16xf32>,
        %get3A_193 = vector.shape_cast %get3A_192 : vector<1x16xf32> to vector<16xf32>
        %add3A_194 = arith.addf %scan3A_148, %get3A_193 : vector<16xf32>
        %swap3A_195 = arith.index_cast %scan3A_143 : i32 to index
        %swap3A_196 = arith.constant 64 : index
        %swap3A_197 = tpu.vector_load %arg7[%swap3A_195, %swap3A_196] {strides = array<i32>} : memref<128x128xf32, #tpu.memory_space<vmem>>, vector<1x16xf32>,
        %swap3A_198 = vector.shape_cast %swap3A_197 : vector<1x16xf32> to vector<16xf32>
        %swap3A_199 = vector.shape_cast %add3A_194 : vector<16xf32> to vector<1x16xf32>
        tpu.vector_store %arg7[%swap3A_195, %swap3A_196], %swap3A_199 {strides = array<i32>} : memref<128x128xf32, #tpu.memory_space<vmem>>, vector<1x16xf32>,
        %get3A_200 = arith.index_cast %scan3A_143 : i32 to index
        %get3A_201 = arith.constant 80 : index
        %get3A_202 = tpu.vector_load %arg7[%get3A_200, %get3A_201] {strides = array<i32>} : memref<128x128xf32, #tpu.memory_space<vmem>>, vector<1x16xf32>,
        %get3A_203 = vector.shape_cast %get3A_202 : vector<1x16xf32> to vector<16xf32>
        %add3A_204 = arith.addf %scan3A_149, %get3A_203 : vector<16xf32>
        %swap3A_205 = arith.index_cast %scan3A_143 : i32 to index
        %swap3A_206 = arith.constant 80 : index
        %swap3A_207 = tpu.vector_load %arg7[%swap3A_205, %swap3A_206] {strides = array<i32>} : memref<128x128xf32, #tpu.memory_space<vmem>>, vector<1x16xf32>,
        %swap3A_208 = vector.shape_cast %swap3A_207 : vector<1x16xf32> to vector<16xf32>
        %swap3A_209 = vector.shape_cast %add3A_204 : vector<16xf32> to vector<1x16xf32>
        tpu.vector_store %arg7[%swap3A_205, %swap3A_206], %swap3A_209 {strides = array<i32>} : memref<128x128xf32, #tpu.memory_space<vmem>>, vector<1x16xf32>,
        %get3A_210 = arith.index_cast %scan3A_143 : i32 to index
        %get3A_211 = arith.constant 96 : index
        %get3A_212 = tpu.vector_load %arg7[%get3A_210, %get3A_211] {strides = array<i32>} : memref<128x128xf32, #tpu.memory_space<vmem>>, vector<1x16xf32>,
        %get3A_213 = vector.shape_cast %get3A_212 : vector<1x16xf32> to vector<16xf32>
        %add3A_214 = arith.addf %scan3A_150, %get3A_213 : vector<16xf32>
        %swap3A_215 = arith.index_cast %scan3A_143 : i32 to index
        %swap3A_216 = arith.constant 96 : index
        %swap3A_217 = tpu.vector_load %arg7[%swap3A_215, %swap3A_216] {strides = array<i32>} : memref<128x128xf32, #tpu.memory_space<vmem>>, vector<1x16xf32>,
        %swap3A_218 = vector.shape_cast %swap3A_217 : vector<1x16xf32> to vector<16xf32>
        %swap3A_219 = vector.shape_cast %add3A_214 : vector<16xf32> to vector<1x16xf32>
        tpu.vector_store %arg7[%swap3A_215, %swap3A_216], %swap3A_219 {strides = array<i32>} : memref<128x128xf32, #tpu.memory_space<vmem>>, vector<1x16xf32>,
        %get3A_220 = arith.index_cast %scan3A_143 : i32 to index
        %get3A_221 = arith.constant 112 : index
        %get3A_222 = tpu.vector_load %arg7[%get3A_220, %get3A_221] {strides = array<i32>} : memref<128x128xf32, #tpu.memory_space<vmem>>, vector<1x16xf32>,
        %get3A_223 = vector.shape_cast %get3A_222 : vector<1x16xf32> to vector<16xf32>
        %add3A_224 = arith.addf %scan3A_151, %get3A_223 : vector<16xf32>
        %swap3A_225 = arith.index_cast %scan3A_143 : i32 to index
        %swap3A_226 = arith.constant 112 : index
        %swap3A_227 = tpu.vector_load %arg7[%swap3A_225, %swap3A_226] {strides = array<i32>} : memref<128x128xf32, #tpu.memory_space<vmem>>, vector<1x16xf32>,
        %swap3A_228 = vector.shape_cast %swap3A_227 : vector<1x16xf32> to vector<16xf32>
        %swap3A_229 = vector.shape_cast %add3A_224 : vector<16xf32> to vector<1x16xf32>
        tpu.vector_store %arg7[%swap3A_225, %swap3A_226], %swap3A_229 {strides = array<i32>} : memref<128x128xf32, #tpu.memory_space<vmem>>, vector<1x16xf32>,
        %scan3A_230 = arith.constant 1 : i32
        %scan3A_231 = arith.addi %scan3A_143, %scan3A_230 : i32
        %get3A_232 = arith.index_cast %scan3A_231 : i32 to index
        %get3A_233 = arith.constant 0 : index
        %get3A_234 = tpu.vector_load %arg7[%get3A_232, %get3A_233] {strides = array<i32>} : memref<128x128xf32, #tpu.memory_space<vmem>>, vector<1x16xf32>,
        %get3A_235 = vector.shape_cast %get3A_234 : vector<1x16xf32> to vector<16xf32>
        %add3A_236 = arith.addf %add3A_155, %get3A_235 : vector<16xf32>
        %swap3A_237 = arith.index_cast %scan3A_231 : i32 to index
        %swap3A_238 = arith.constant 0 : index
        %swap3A_239 = tpu.vector_load %arg7[%swap3A_237, %swap3A_238] {strides = array<i32>} : memref<128x128xf32, #tpu.memory_space<vmem>>, vector<1x16xf32>,
        %swap3A_240 = vector.shape_cast %swap3A_239 : vector<1x16xf32> to vector<16xf32>
        %swap3A_241 = vector.shape_cast %add3A_236 : vector<16xf32> to vector<1x16xf32>
        tpu.vector_store %arg7[%swap3A_237, %swap3A_238], %swap3A_241 {strides = array<i32>} : memref<128x128xf32, #tpu.memory_space<vmem>>, vector<1x16xf32>,
        %get3A_242 = arith.index_cast %scan3A_231 : i32 to index
        %get3A_243 = arith.constant 16 : index
        %get3A_244 = tpu.vector_load %arg7[%get3A_242, %get3A_243] {strides = array<i32>} : memref<128x128xf32, #tpu.memory_space<vmem>>, vector<1x16xf32>,
        %get3A_245 = vector.shape_cast %get3A_244 : vector<1x16xf32> to vector<16xf32>
        %add3A_246 = arith.addf %add3A_164, %get3A_245 : vector<16xf32>
        %swap3A_247 = arith.index_cast %scan3A_231 : i32 to index
        %swap3A_248 = arith.constant 16 : index
        %swap3A_249 = tpu.vector_load %arg7[%swap3A_247, %swap3A_248] {strides = array<i32>} : memref<128x128xf32, #tpu.memory_space<vmem>>, vector<1x16xf32>,
        %swap3A_250 = vector.shape_cast %swap3A_249 : vector<1x16xf32> to vector<16xf32>
        %swap3A_251 = vector.shape_cast %add3A_246 : vector<16xf32> to vector<1x16xf32>
        tpu.vector_store %arg7[%swap3A_247, %swap3A_248], %swap3A_251 {strides = array<i32>} : memref<128x128xf32, #tpu.memory_space<vmem>>, vector<1x16xf32>,
        %get3A_252 = arith.index_cast %scan3A_231 : i32 to index
        %get3A_253 = arith.constant 32 : index
        %get3A_254 = tpu.vector_load %arg7[%get3A_252, %get3A_253] {strides = array<i32>} : memref<128x128xf32, #tpu.memory_space<vmem>>, vector<1x16xf32>,
        %get3A_255 = vector.shape_cast %get3A_254 : vector<1x16xf32> to vector<16xf32>
        %add3A_256 = arith.addf %add3A_174, %get3A_255 : vector<16xf32>
        %swap3A_257 = arith.index_cast %scan3A_231 : i32 to index
        %swap3A_258 = arith.constant 32 : index
        %swap3A_259 = tpu.vector_load %arg7[%swap3A_257, %swap3A_258] {strides = array<i32>} : memref<128x128xf32, #tpu.memory_space<vmem>>, vector<1x16xf32>,
        %swap3A_260 = vector.shape_cast %swap3A_259 : vector<1x16xf32> to vector<16xf32>
        %swap3A_261 = vector.shape_cast %add3A_256 : vector<16xf32> to vector<1x16xf32>
        tpu.vector_store %arg7[%swap3A_257, %swap3A_258], %swap3A_261 {strides = array<i32>} : memref<128x128xf32, #tpu.memory_space<vmem>>, vector<1x16xf32>,
        %get3A_262 = arith.index_cast %scan3A_231 : i32 to index
        %get3A_263 = arith.constant 48 : index
        %get3A_264 = tpu.vector_load %arg7[%get3A_262, %get3A_263] {strides = array<i32>} : memref<128x128xf32, #tpu.memory_space<vmem>>, vector<1x16xf32>,
        %get3A_265 = vector.shape_cast %get3A_264 : vector<1x16xf32> to vector<16xf32>
        %add3A_266 = arith.addf %add3A_184, %get3A_265 : vector<16xf32>
        %swap3A_267 = arith.index_cast %scan3A_231 : i32 to index
        %swap3A_268 = arith.constant 48 : index
        %swap3A_269 = tpu.vector_load %arg7[%swap3A_267, %swap3A_268] {strides = array<i32>} : memref<128x128xf32, #tpu.memory_space<vmem>>, vector<1x16xf32>,
        %swap3A_270 = vector.shape_cast %swap3A_269 : vector<1x16xf32> to vector<16xf32>
        %swap3A_271 = vector.shape_cast %add3A_266 : vector<16xf32> to vector<1x16xf32>
        tpu.vector_store %arg7[%swap3A_267, %swap3A_268], %swap3A_271 {strides = array<i32>} : memref<128x128xf32, #tpu.memory_space<vmem>>, vector<1x16xf32>,
        %get3A_272 = arith.index_cast %scan3A_231 : i32 to index
        %get3A_273 = arith.constant 64 : index
        %get3A_274 = tpu.vector_load %arg7[%get3A_272, %get3A_273] {strides = array<i32>} : memref<128x128xf32, #tpu.memory_space<vmem>>, vector<1x16xf32>,
        %get3A_275 = vector.shape_cast %get3A_274 : vector<1x16xf32> to vector<16xf32>
        %add3A_276 = arith.addf %add3A_194, %get3A_275 : vector<16xf32>
        %swap3A_277 = arith.index_cast %scan3A_231 : i32 to index
        %swap3A_278 = arith.constant 64 : index
        %swap3A_279 = tpu.vector_load %arg7[%swap3A_277, %swap3A_278] {strides = array<i32>} : memref<128x128xf32, #tpu.memory_space<vmem>>, vector<1x16xf32>,
        %swap3A_280 = vector.shape_cast %swap3A_279 : vector<1x16xf32> to vector<16xf32>
        %swap3A_281 = vector.shape_cast %add3A_276 : vector<16xf32> to vector<1x16xf32>
        tpu.vector_store %arg7[%swap3A_277, %swap3A_278], %swap3A_281 {strides = array<i32>} : memref<128x128xf32, #tpu.memory_space<vmem>>, vector<1x16xf32>,
        %get3A_282 = arith.index_cast %scan3A_231 : i32 to index
        %get3A_283 = arith.constant 80 : index
        %get3A_284 = tpu.vector_load %arg7[%get3A_282, %get3A_283] {strides = array<i32>} : memref<128x128xf32, #tpu.memory_space<vmem>>, vector<1x16xf32>,
        %get3A_285 = vector.shape_cast %get3A_284 : vector<1x16xf32> to vector<16xf32>
        %add3A_286 = arith.addf %add3A_204, %get3A_285 : vector<16xf32>
        %swap3A_287 = arith.index_cast %scan3A_231 : i32 to index
        %swap3A_288 = arith.constant 80 : index
        %swap3A_289 = tpu.vector_load %arg7[%swap3A_287, %swap3A_288] {strides = array<i32>} : memref<128x128xf32, #tpu.memory_space<vmem>>, vector<1x16xf32>,
        %swap3A_290 = vector.shape_cast %swap3A_289 : vector<1x16xf32> to vector<16xf32>
        %swap3A_291 = vector.shape_cast %add3A_286 : vector<16xf32> to vector<1x16xf32>
        tpu.vector_store %arg7[%swap3A_287, %swap3A_288], %swap3A_291 {strides = array<i32>} : memref<128x128xf32, #tpu.memory_space<vmem>>, vector<1x16xf32>,
        %get3A_292 = arith.index_cast %scan3A_231 : i32 to index
        %get3A_293 = arith.constant 96 : index
        %get3A_294 = tpu.vector_load %arg7[%get3A_292, %get3A_293] {strides = array<i32>} : memref<128x128xf32, #tpu.memory_space<vmem>>, vector<1x16xf32>,
        %get3A_295 = vector.shape_cast %get3A_294 : vector<1x16xf32> to vector<16xf32>
        %add3A_296 = arith.addf %add3A_214, %get3A_295 : vector<16xf32>
        %swap3A_297 = arith.index_cast %scan3A_231 : i32 to index
        %swap3A_298 = arith.constant 96 : index
        %swap3A_299 = tpu.vector_load %arg7[%swap3A_297, %swap3A_298] {strides = array<i32>} : memref<128x128xf32, #tpu.memory_space<vmem>>, vector<1x16xf32>,
        %swap3A_300 = vector.shape_cast %swap3A_299 : vector<1x16xf32> to vector<16xf32>
        %swap3A_301 = vector.shape_cast %add3A_296 : vector<16xf32> to vector<1x16xf32>
        tpu.vector_store %arg7[%swap3A_297, %swap3A_298], %swap3A_301 {strides = array<i32>} : memref<128x128xf32, #tpu.memory_space<vmem>>, vector<1x16xf32>,
        %get3A_302 = arith.index_cast %scan3A_231 : i32 to index
        %get3A_303 = arith.constant 112 : index
        %get3A_304 = tpu.vector_load %arg7[%get3A_302, %get3A_303] {strides = array<i32>} : memref<128x128xf32, #tpu.memory_space<vmem>>, vector<1x16xf32>,
        %get3A_305 = vector.shape_cast %get3A_304 : vector<1x16xf32> to vector<16xf32>
        %add3A_306 = arith.addf %add3A_224, %get3A_305 : vector<16xf32>
        %swap3A_307 = arith.index_cast %scan3A_231 : i32 to index
        %swap3A_308 = arith.constant 112 : index
        %swap3A_309 = tpu.vector_load %arg7[%swap3A_307, %swap3A_308] {strides = array<i32>} : memref<128x128xf32, #tpu.memory_space<vmem>>, vector<1x16xf32>,
        %swap3A_310 = vector.shape_cast %swap3A_309 : vector<1x16xf32> to vector<16xf32>
        %swap3A_311 = vector.shape_cast %add3A_306 : vector<16xf32> to vector<1x16xf32>
        tpu.vector_store %arg7[%swap3A_307, %swap3A_308], %swap3A_311 {strides = array<i32>} : memref<128x128xf32, #tpu.memory_space<vmem>>, vector<1x16xf32>,
        scf.yield %add3A_236, %add3A_246, %add3A_256, %add3A_266, %add3A_276, %add3A_286, %add3A_296, %add3A_306 : vector<16xf32>, vector<16xf32>, vector<16xf32>, vector<16xf32>, vector<16xf32>, vector<16xf32>, vector<16xf32>, vector<16xf32>
      }
      %scan3A_127 = arith.constant 128 : i32
      %mul3A_128 = arith.constant 128 : i32
      %mul3A_129 = arith.muli %add3A_117, %mul3A_128 : i32
      %dma_start3A_130 = tpu.memref_slice %arg3[%mul3A_129, %mul3A_2] : memref<8192x4096xf32, #tpu.memory_space<hbm>> -> memref<128x128xf32, #tpu.memory_space<hbm>>
      %dma_start3A_131 = tpu.memref_slice %arg3[%mul3A_129, %mul3A_2] : memref<8192x4096xf32, #tpu.memory_space<hbm>> -> memref<128x128xf32, #tpu.memory_space<hbm>>
      tpu.enqueue_dma source(%arg7 : memref<128x128xf32, #tpu.memory_space<vmem>>) target(%dma_start3A_131 : memref<128x128xf32, #tpu.memory_space<hbm>>) target_semaphore(%arg15 : memref<!tpu.dma_semaphore, #tpu.memory_space<semaphore_mem>>)
      %sub3A_132 = arith.constant 2 : i32
      %sub3A_133 = arith.subi %add3A_117, %sub3A_132 : i32
      %mul3A_134 = arith.constant 128 : i32
      %mul3A_135 = arith.muli %sub3A_133, %mul3A_134 : i32
      %dma_wait3A_136 = tpu.memref_slice %arg3[%mul3A_135, %mul3A_2] : memref<8192x4096xf32, #tpu.memory_space<hbm>> -> memref<128x128xf32, #tpu.memory_space<hbm>>
      %dma_wait3A_137 = tpu.memref_slice %arg3[%mul3A_135, %mul3A_2] : memref<8192x4096xf32, #tpu.memory_space<hbm>> -> memref<128x128xf32, #tpu.memory_space<hbm>>
      tpu.wait_dma2 semaphore(%arg13 : memref<!tpu.dma_semaphore, #tpu.memory_space<semaphore_mem>>) src(%arg5 : memref<128x128xf32, #tpu.memory_space<vmem>>) dst(%dma_wait3A_137 : memref<128x128xf32, #tpu.memory_space<hbm>>)
      %lt3A_138 = arith.constant 15 : i32
      %lt3A_139 = arith.cmpi slt, %scan3A_23, %lt3A_138 : i32
      %convert_element_type3A_140 = arith.extui %lt3A_139 : i1 to i32
      %cond3A_141 = arith.constant 0 : i32
      %cond3A_142 = arith.cmpi ne, %convert_element_type3A_140, %cond3A_141 : i32
      scf.if %cond3A_142 {
        %add3A_143 = arith.constant 2 : i32
        %add3A_144 = arith.addi %add3A_117, %add3A_143 : i32
        %mul3A_145 = arith.constant 128 : i32
        %mul3A_146 = arith.muli %add3A_144, %mul3A_145 : i32
        %dma_start3A_147 = tpu.memref_slice %arg2[%mul3A_146, %mul3A_2] : memref<8192x4096xf32, #tpu.memory_space<hbm>> -> memref<128x128xf32, #tpu.memory_space<hbm>>
        %dma_start3A_148 = tpu.memref_slice %arg2[%mul3A_146, %mul3A_2] : memref<8192x4096xf32, #tpu.memory_space<hbm>> -> memref<128x128xf32, #tpu.memory_space<hbm>>
        tpu.enqueue_dma source(%dma_start3A_148 : memref<128x128xf32, #tpu.memory_space<hbm>>) target(%arg5 : memref<128x128xf32, #tpu.memory_space<vmem>>) target_semaphore(%arg9 : memref<!tpu.dma_semaphore, #tpu.memory_space<semaphore_mem>>)
      } else {
      }
      scf.yield %scan3A_126#0, %scan3A_126#1, %scan3A_126#2, %scan3A_126#3, %scan3A_126#4, %scan3A_126#5, %scan3A_126#6, %scan3A_126#7 : vector<16xf32>, vector<16xf32>, vector<16xf32>, vector<16xf32>, vector<16xf32>, vector<16xf32>, vector<16xf32>, vector<16xf32>
    }
    %scan3A_15 = arith.constant 16 : i32
    %dma_wait3A = arith.constant 7936 : i32
    %dma_wait3A_16 = tpu.memref_slice %arg3[%dma_wait3A, %mul3A_2] : memref<8192x4096xf32, #tpu.memory_space<hbm>> -> memref<128x128xf32, #tpu.memory_space<hbm>>
    %dma_wait3A_17 = arith.constant 7936 : i32
    %dma_wait3A_18 = tpu.memref_slice %arg3[%dma_wait3A_17, %mul3A_2] : memref<8192x4096xf32, #tpu.memory_space<hbm>> -> memref<128x128xf32, #tpu.memory_space<hbm>>
    tpu.wait_dma2 semaphore(%arg14 : memref<!tpu.dma_semaphore, #tpu.memory_space<semaphore_mem>>) src(%arg6 : memref<128x128xf32, #tpu.memory_space<vmem>>) dst(%dma_wait3A_18 : memref<128x128xf32, #tpu.memory_space<hbm>>)
    %dma_wait3A_19 = arith.constant 8064 : i32
    %dma_wait3A_20 = tpu.memref_slice %arg3[%dma_wait3A_19, %mul3A_2] : memref<8192x4096xf32, #tpu.memory_space<hbm>> -> memref<128x128xf32, #tpu.memory_space<hbm>>
    %dma_wait3A_21 = arith.constant 8064 : i32
    %dma_wait3A_22 = tpu.memref_slice %arg3[%dma_wait3A_21, %mul3A_2] : memref<8192x4096xf32, #tpu.memory_space<hbm>> -> memref<128x128xf32, #tpu.memory_space<hbm>>
    tpu.wait_dma2 semaphore(%arg15 : memref<!tpu.dma_semaphore, #tpu.memory_space<semaphore_mem>>) src(%arg7 : memref<128x128xf32, #tpu.memory_space<vmem>>) dst(%dma_wait3A_22 : memref<128x128xf32, #tpu.memory_space<hbm>>)
    return
  }
}

</mosaic_0001>

<sc_bundles>
// kernel: kernel.3.cloned.1.call-start
scs
__scs_entry_jumppad:
0x0: {  	(pc) =	sbr.rel $0x88, $3  }
0x1: {  	(tag) =	ssettag $0x0;
	lr =	simm.s32 $0x1  }
0x2: {  	[smem:$0x3FA0] =	sst lr;
	_ =	strace $0xD0000000  }
0x3: {  	_ = 	snop  }
0x4: {  	_ = 	snop  }
0x5: {  	_ = 	snop  }
0x6: {  	_ = 	snop  }
0x7: {  	_ = 	snop  }
__scs_overlays_trampoline_lowered:
0x8: {  	[smem:$0x3FAF] =	sst s0  }
0x9: {  	[smem:$0x3FB0] =	sst s1  }
0xa: {  	[smem:$0x3FB1] =	sst s2  }
0xb: {  	[smem:$0x3FB2] =	sst s3  }
0xc: {  	[smem:$0x3FB3] =	sst s4  }
0xd: {  	[smem:$0x3FB4] =	sst s5  }
0xe: {  	[smem:$0x3FB5] =	sst s6  }
0xf: {  	[smem:$0x3FB6] =	sst s7  }
0x10: {  	[smem:$0x3FB7] =	sst s8  }
0x11: {  	[smem:$0x3FB8] =	sst s9;
	s0 =	simm.s32 @!p0 $0x0  }
0x12: {  	s1 =	sld [smem:$0x3F9E];
	s0 =	simm.s32 @p0 $0x1  }
0x13: {  	[smem:$0x3FB9] =	sst s0;
	s0 =	simm.s32 @!p1 $0x0  }
0x14: {  	s2 =	sld [smem:$0x3F9D];
	s0 =	simm.s32 @p1 $0x1  }
0x15: {  	[smem:$0x3FBA] =	sst s0;
	s0 =	simm.s32 @!p2 $0x0  }
0x16: {  	s3 =	sld [smem:$0x3FDB];
	s0 =	simm.s32 @p2 $0x1  }
0x17: {  	s4 =	simm.s32 $0x1BF5;
	[smem:$0x3FBC] =	sst s0  }
0x18: {  	s0 =	sld [smem:$0x3F9F];
	_ =	swait.ge [sflag:s4], $0x0  }
0x19: {  	s7 =	sld [smem:$0x3FA0]  }
0x1a: {  	s8 =	sadd.s32 $0xFFFFE003, lr  }
0x1b: {  	s9 =	sadd.s32 $0xFFFFFEF7, lr;
	s5 =	simm.s32 $0xFFFFFFFF;
	p2 =	slt.u32 s8, $0xFFFFF086  }
0x1c: {  	p1 =	slt.u32 s9, $0xF7A;
	s5 =	simm.s32 @!p2 $0x0  }
0x1d: {  	s5 =	simm.s32 @p1 $0x1;
	p0 =	seq.s32 s7, s2  }
0x1e: {  	s7 =	smul.u32 @!p0 $0xF7A, s2;
	p2 =	seq.s32 @!p0 s5, $0x0  }
0x1f: {  	s9 =	smul.u32 $0xF7A, s1;
	s8 =	simm.s32 @!p0 $0x1BF5;
	p2 =	por !p2, p0  }
0x20: {  	[sflag:s8] =	ssyncset.s32 @!p0 $0xFFFFF086;
	s6 =	sadd.s32 @!p0 s3, s7;
	s7 =	simm.s32 @!p0 $0x108  }
0x21: {  	s3 =	sadd.s32 s3, s9;
	s6 =	sadd.s32 @!p0 $0x88, s6;
	s7 =	simm.s32 @p2 $0x1082  }
0x22: {  	[simem:s7], [sflag:s8] =	dma.local @!p0 [hbm:s6], $0xF7A  }
0x23: {  	s9 =	sor.u32 $0xD0000000, s2;
	s6 =	simm.s32 $0x108;
	_ =	swait.ge @!p0 [sflag:s8], $0x0  }
0x24: {  	s3 =	sadd.s32 $0x88, s3;
	s6 =	simm.s32 @!p1 $0x1082;
	[sflag:s4] =	ssyncset.s32 $0xFFFFF086  }
0x25: {  	[simem:s6], [sflag:s4] =	dma.local [hbm:s3], $0xF7A  }
0x26: {  	[smem:$0x3FA0] =	sst s1;
	(tag) =	ssettag s2;
	_ =	strace s9  }
0x27: {  	s1 =	sld [smem:$0x3FB0]  }
0x28: {  	s2 =	sld [smem:$0x3FB1]  }
0x29: {  	s4 =	sld [smem:$0x3FB3]  }
0x2a: {  	p0 =	seq.s32 s5, $0x0;
	s5 =	sld [smem:$0x3FB4]  }
0x2b: {  	s6 =	sld [smem:$0x3FB5]  }
0x2c: {  	s7 =	sld [smem:$0x3FB6]  }
0x2d: {  	s3 =	simm.s32 $0x108;
	s8 =	sld [smem:$0x3FB7]  }
0x2e: {  	s3 =	simm.s32 @!p0 $0x1082;
	s9 =	sld [smem:$0x3FB8]  }
0x2f: {  	lr =	sadd.s32 s0, s3;
	s0 =	sld [smem:$0x3FAF]  }
0x30: {  	s3 =	sld [smem:$0x3FB2]  }
0x31: {  	[smem:$0x3FBB] =	sst s10  }
0x32: {  	s10 =	sld [smem:$0x3FB9];
	_ =	sdelay $0x3  }
0x33: {  	p0 =	seq.s32 s10, $0x1;
	s10 =	sld [smem:$0x3FBB];
	_ =	sdelay $0x3  }
0x34: {  	[smem:$0x3FBB] =	sst s10  }
0x35: {  	s10 =	sld [smem:$0x3FBA];
	_ =	sdelay $0x3  }
0x36: {  	p1 =	seq.s32 s10, $0x1;
	s10 =	sld [smem:$0x3FBB];
	_ =	sdelay $0x3  }
0x37: {  	[smem:$0x3FBB] =	sst s10  }
0x38: {  	s10 =	sld [smem:$0x3FBC]  }
0x39: {  	_ = 	snop;
	(pc) =	sbr.ind lr, $3  }
0x3a: {  	_ = 	snop  }
0x3b: {  	_ = 	snop  }
0x3c: {  	p2 =	seq.s32 s10, $0x1;
	s10 =	sld [smem:$0x3FBB]  }
0x3d: {  	_ =	shalt  }
0x3e: {  	_ =	shalt  }
0x3f: {  	_ =	shalt  }
0x40: {  	_ =	shalt  }
0x41: {  	_ =	shalt  }
0x42: {  	_ =	shalt  }
0x43: {  	_ =	shalt  }
0x44: {  	_ =	shalt  }
0x45: {  	_ =	shalt  }
0x46: {  	_ =	shalt  }
0x47: {  	_ =	shalt  }
0x48: {  	_ =	shalt  }
0x49: {  	_ =	shalt  }
0x4a: {  	_ =	shalt  }
0x4b: {  	_ =	shalt  }
0x4c: {  	_ =	shalt  }
0x4d: {  	_ =	shalt  }
0x4e: {  	_ =	shalt  }
0x4f: {  	_ =	shalt  }
0x50: {  	_ =	shalt  }
0x51: {  	_ =	shalt  }
0x52: {  	_ =	shalt  }
0x53: {  	_ =	shalt  }
0x54: {  	_ =	shalt  }
0x55: {  	_ =	shalt  }
0x56: {  	_ =	shalt  }
0x57: {  	_ =	shalt  }
0x58: {  	_ =	shalt  }
0x59: {  	_ =	shalt  }
0x5a: {  	_ =	shalt  }
0x5b: {  	_ =	shalt  }
0x5c: {  	_ =	shalt  }
0x5d: {  	_ =	shalt  }
0x5e: {  	_ =	shalt  }
0x5f: {  	_ =	shalt  }
0x60: {  	_ =	shalt  }
0x61: {  	_ =	shalt  }
0x62: {  	_ =	shalt  }
0x63: {  	_ =	shalt  }
0x64: {  	_ =	shalt  }
0x65: {  	_ =	shalt  }
0x66: {  	_ =	shalt  }
0x67: {  	_ =	shalt  }
0x68: {  	_ =	shalt  }
0x69: {  	_ =	shalt  }
0x6a: {  	_ =	shalt  }
0x6b: {  	_ =	shalt  }
0x6c: {  	_ =	shalt  }
0x6d: {  	_ =	shalt  }
0x6e: {  	_ =	shalt  }
0x6f: {  	_ =	shalt  }
0x70: {  	_ =	shalt  }
0x71: {  	_ =	shalt  }
0x72: {  	_ =	shalt  }
0x73: {  	_ =	shalt  }
0x74: {  	_ =	shalt  }
0x75: {  	_ =	shalt  }
0x76: {  	_ =	shalt  }
0x77: {  	_ =	shalt  }
0x78: {  	_ =	shalt  }
0x79: {  	_ =	shalt  }
0x7a: {  	_ =	shalt  }
0x7b: {  	_ =	shalt  }
0x7c: {  	_ =	shalt  }
0x7d: {  	_ =	shalt  }
0x7e: {  	_ =	shalt  }
0x7f: {  	_ =	shalt  }
0x80: {  	_ =	shalt  }
0x81: {  	_ =	shalt  }
0x82: {  	_ =	shalt  }
0x83: {  	_ =	shalt  }
0x84: {  	_ =	shalt  }
0x85: {  	_ =	shalt  }
0x86: {  	_ =	shalt  }
0x87: {  	_ =	shalt  }
.Lfunc_end0:
.L_simem_size_0:
called_computation_lowered:
.L_overlay_start_0:
0x88: {  	s2 =	sld [smem:$0x3FD9]  }
0x89: {  	s3 =	sld [smem:$0x3FFE];
	_ =	sdelay $0x1  }
0x8a: {  	s1 =	srdreg.scid  }
0x8b: {  	s0 =	sand.u32 $0x1, s1  }
0x8c: {  	s18 =	sshll.u32 s0, $0xA;
	s2 =	sadd.s32 s3, s2  }
0x8d: {  	s2 =	sadd.s32 s2, s18  }
0x8e: {  	[smem:$0x3FC7] =	sst s2  }
0x8f: {  	_ = 	snop  }
0x90: {  	s2 =	sld [smem:$0x3FC9]  }
0x91: {  	s19 =	sld [smem:$0x3FD0];
	(tm) =	ssettm $0x1  }
0x92: {  	s4 =	sld [smem:$0x3FFB];
	_ =	sdelay $0x3  }
0x93: {  	_ =	strace s4  }
0x94: {  	s4 =	sld [smem:$0x3FFC];
	_ =	sdelay $0x3  }
0x95: {  	_ =	strace s4  }
0x96: {  	s4 =	sld [smem:$0x3FFD];
	_ =	sdelay $0x3  }
0x97: {  	_ =	strace s4  }
0x98: {  	_ =	strace $0x8FFFFFFF  }
0x99: {  	s20 =	sld [smem:$0x3FDB];
	_ =	sdelay $0x1  }
0x9a: {  	s5 =	simm.s32 $_scs_section_size  }
0x9b: {  	s6 =	simm.s32 $_size__tile_overlayer_lowered;
	s7 =	simm.s32 $_tile_overlayer_lowered  }
0x9c: {  	s23 =	simm.s32 $0x1BFF;
	s22 =	sshll.u32 s7, $0x1;
	s4 =	sadd.s32 s5, s20  }
0x9d: {  	s8 =	simm.s32 $0x0;
	s21 =	sshll.u32 s6, $0x1;
	s6 =	sadd.s32 s22, s4  }
0x9e: {  	[timem:s8], [sflag:s23] =	dma.local [hbm:s6], s21  }
0x9f: {  	_ =	swait.ge [sflag:s23], s21  }
0xa0: {  	s5 =	ssub.s32 $0x0, s21;
	[sflag:s23] =	ssyncset.done $0x0  }
0xa1: {  	[sflag:s23] =	ssyncadd.s32 s5;
	_ =	sdelay $0x1  }
0xa2: {  	s24 =	simm.s32 $0x1B8B  }
0xa3: {  	_ =	swait.ge [sflag:s24], $0x1  }
0xa4: {  	[sflag:s24] =	ssyncset.done $0x0  }
0xa5: {  	s25 =	simm.s32 $0x1B8E;
	[sflag:s24] =	ssyncadd.s32 $0xFFFFFFFF  }
0xa6: {  	s26 =	simm.s32 $execute0_lowered;
	[smem:$0x3FD2] =	sst s25  }
0xa7: {  	s5 =	sshll.u32 s26, $0x1;
	_ =	strace $0x80000046;
	[dreg:$0x1] =	wrdreg $0xFFFFFFFF  }
0xa8: {  	s28 =	simm.s32 $_size_execute0_lowered;
	s4 =	sadd.s32 s4, s5;
	[dreg:$0x0] =	wrdreg $0x0  }
0xa9: {  	s5 =	sshll.u32 s28, $0x1;
	[dreg:$0x2] =	wrdreg s4  }
0xaa: {  	[dreg:$0x3] =	wrdreg s5  }
0xab: {  	[dreg:$0x4] =	wrdreg $0xC0  }
0xac: {  	_ =	task [dreg:s8], $0x5FFFF  }
0xad: {  	[dreg:$0x1] =	wrdreg $0xFFFFFFFF  }
0xae: {  	[dreg:$0x0] =	wrdreg $0x60  }
0xaf: {  	[dreg:$0x2] =	wrdreg s2  }
0xb0: {  	[dreg:$0x3] =	wrdreg s19  }
0xb1: {  	[dreg:$0x4] =	wrdreg $0x9  }
0xb2: {  	_ =	task.clear_ibuf [dreg:s8], $0x5FFFF;
	_ =	strace $0x90000046  }
0xb3: {  	s29 =	simm.s32 $0x9;
	_ =	strace $0x80000048  }
0xb4: {  	_ =	swait.ge [sflag:s29], $0x1  }
0xb5: {  	[sflag:s29] =	ssyncadd.s32 $0xFFFFFFFF  }
0xb6: {  	_ =	strace $0x90000048  }
0xb7: {  	_ =	sfence  }
0xb8: {  	s30 =	sld [smem:$0x0];
	_ =	sdelay $0x2  }
0xb9: {  	s31 =	sshll.u32 s1, $0xD;
	s1 =	sshrl.u32 s1, $0x2  }
0xba: {  	s3 =	sand.u32 $0x4000, s31;
	s1 =	sadd.s32 s1, s30  }
0xbb: {  	s0 =	sor.u32 s3, s0;
	s1 =	sshll.u32 s1, $0x11  }
0xbc: {  	s0 =	sor.u32 s1, s0  }
0xbd: {  	s0 =	sadd.s32 $0x8F2B, s0  }
0xbe: {  	[sflag:s0] =	ssyncadd.remote.s32 $0x1  }
0xbf: {  	_ =	sfence.sel $0xFFFF  }
0xc0: {  	[dreg:$0x0] =	wrdreg $0xFFFFFFFF;
	(pc) =	sbr.abs _section_cstart, $3  }
0xc1: {  	[dreg:$0x1] =	wrdreg $0xFFFFFFFF  }
0xc2: {  	_ =	task.clear_ibuf [dreg:s8], $0x2FFFF;
	_ =	strace $0x9FFFFFFF  }
0xc3: {  	(tm) =	ssettm $0x7FFFFFFF  }
tec
execute0_lowered:
.L_overlay_start_1:
0x0: {  	(tag) =	ssettag $0x1  }
0x1: {  	s2 =	rddreg [dreg:$0x0];
	s0 =	srdreg.scid  }
0x2: {  	s3 =	rddreg [dreg:$0x1];
	s1 =	stileid.u32;
	s4 =	simm.s32 $0x0  }
0x3: {  	s12 =	simm.s32 $0x400;
	s13 =	simm.s32 $0x8000;
	s14 =	simm.s32 $0x4000  }
0x4: {  	s15 =	simm.s32 $0x1;
	s16 =	simm.s32 $0x2;
	s17 =	simm.s32 $0xC000  }
0x5: {  	s18 =	simm.s32 $0x3;
	s19 =	simm.s32 $0x5;
	s20 =	simm.s32 $0x4  }
0x6: {  	s21 =	simm.s32 $0x6;
	s22 =	simm.s32 $0x7;
	s23 =	simm.s32 $0x8  }
0x7: {  	s24 =	simm.s32 $0x0;
	s0 =	sand.u32 $0x1, s0;
	s5 =	sshll.u32 s1, $0xB  }
.Ltmp0:
0x8: {  	[smem:$0x7FF] =	sst s4;
	s6 =	sshll.u32 s0, $0xA;
	(pc) =	sbr.rel .LBB2_1-.Ltmp0, $4  }
0x9: {  	s10 =	sadd.s32 $0x10000, s3;
	s0 =	ssub.s32 $0x2, s0;
	s5 =	sor.u32 s6, s5  }
0xa: {  	_ =	strace $0x80000047;
	s31 =	sshrl.u32 s0, $0x1;
	s7 =	sshrl.u32 s5, $0x3  }
0xb: {  	s0 =	ssub.s32 s0, s31;
	s8 =	sor.u32 $0x200000, s5;
	s6 =	sadd.s32 s2, s7  }
0xc: {  	s9 =	sor.u32 $0x280000, s5;
	s11 =	smax.u32 s0, $0x1;
	s7 =	sadd.s32 $0x10000, s6  }
.LBB2_12:
0xd: {  	s24 =	sadd.s32 $0x1, s24  }
0xe: {  	_ =	swait.ge [sflag:s22], $0x4000;
	p0 =	sne.s32 s24, s11  }
.Ltmp1:
0xf: {  	[sflag:s22] =	ssyncset.done $0x0;
	(pc) =	sbr.rel @!p0 .LBB2_13-.Ltmp1, $4  }
0x10: {  	[sflag:s22] =	ssyncadd.s32 $0xFFFFC000  }
0x11: {  	_ =	swait.ge [sflag:s23], $0x4000  }
0x12: {  	[sflag:s23] =	ssyncset.done $0x0  }
0x13: {  	[sflag:s23] =	ssyncadd.s32 $0xFFFFC000  }
.LBB2_1:
0x14: {  	[tilespmem:s4], [sflag:$0x1] =	stream.strided.gather [hbm4b:s6+s12], $0x4000, s13, s12, $0x38;
	v2 =	vimm.f32 $0.0e+00;
	v0 =	vimm.f32 $0.0e+00;
	[tilespmem:$0x10000] =	vst v63  }
0x15: {  	v1 =	vimm.f32 $0.0e+00;
	v4 =	vimm.f32 $0.0e+00;
	v9 =	vimm.f32 $0.0e+00;
	s25 =	simm.s32 $0x0  }
0x16: {  	v7 =	vimm.f32 $0.0e+00;
	v11 =	vimm.f32 $0.0e+00;
	v3 =	vimm.f32 $0.0e+00;
	[tilespmem:s14], [sflag:$0x2] =	stream.strided.gather [hbm4b:s7+s12], $0x4000, s13, s12, $0x38;
	[tilespmem:$0x10000] =	vst v63  }
.LBB2_2:
0x17: {  	_ =	swait.ge [sflag:s15], $0x4000  }
0x18: {  	[sflag:s15] =	ssyncset.done $0x0  }
0x19: {  	s29 =	simm.s32 $0x80;
	[sflag:s15] =	ssyncadd.s32 $0xFFFFC000  }
0x1a: {  	v8 =	vld [tilespmem:s29+$0xFFFFFFC0]  }
0x1b: {  	v10 =	vld [tilespmem:s29+$0x70]  }
0x1c: {  	v12 =	vld [tilespmem:s29+$0xFFFFFFF0]  }
0x1d: {  	v15 =	vld [tilespmem:s29+$0x0]  }
0x1e: {  	v13 =	vld [tilespmem:s29+$0xFFFFFF80]  }
0x1f: {  	v16 =	vld [tilespmem:s29+$0xFFFFFFA0]  }
0x20: {  	v5 =	vld [tilespmem:s29+$0x60]  }
0x21: {  	v6 =	vld [tilespmem:s29+$0x50]  }
0x22: {  	v17 =	vld [tilespmem:s29+$0xFFFFFF90];
	v2 =	vadd.f32 v12, v2  }
0x23: {  	v12 =	vld [tilespmem:s29+$0xFFFFFFB0];
	v4 =	vadd.f32 v8, v4  }
0x24: {  	v18 =	vld [tilespmem:s29+$0x40];
	v19 =	vadd.f32 v13, v3;
	[tilespmem:s29+$0xFFFFFFF0] =	vst v2  }
0x25: {  	v14 =	vld [tilespmem:s29+$0xFFFFFFE0];
	v7 =	vadd.f32 v16, v7;
	[tilespmem:s29+$0xFFFFFFC0] =	vst v4  }
0x26: {  	v13 =	vld [tilespmem:s29+$0xFFFFFFD0];
	v3 =	vadd.f32 v10, v2;
	[tilespmem:s29+$0xFFFFFF80] =	vst v19  }
0x27: {  	v8 =	vld [tilespmem:s29+$0x30];
	v2 =	vadd.f32 v15, v19;
	[tilespmem:s29+$0xFFFFFFA0] =	vst v7  }
0x28: {  	v10 =	vld [tilespmem:s29+$0x10];
	[tilespmem:s29+$0x70] =	vst v3;
	v12 =	vadd.f32 v12, v9  }
0x29: {  	s26 =	simm.s32 $0x0;
	s28 =	simm.s32 $0x180;
	v4 =	vadd.f32 v18, v4;
	[tilespmem:s29+$0x0] =	vst v2;
	v9 =	vadd.f32 v17, v11;
	v11 =	vld [tilespmem:s29+$0x20]  }
.LBB2_3:
0x2a: {  	v15 =	vld [tilespmem:s28+$0xFFFFFFC0];
	s26 =	sadd.s32 $0x2, s26;
	[tilespmem:s29+$0xFFFFFFB0] =	vst v12  }
0x2b: {  	v1 =	vadd.f32 v13, v1;
	v16 =	vld [tilespmem:s28+$0x70];
	p0 =	slt.u32 s26, $0x7E;
	v13 =	vadd.f32 v14, v0;
	[tilespmem:s29+$0x40] =	vst v4  }
0x2c: {  	v14 =	vld [tilespmem:s28+$0x0];
	[tilespmem:s29+$0xFFFFFF90] =	vst v9  }
0x2d: {  	v17 =	vld [tilespmem:s28+$0xFFFFFFF0];
	[tilespmem:s29+$0xFFFFFFD0] =	vst v1;
	v1 =	vadd.f32 v6, v1;
	v0 =	vadd.f32 v5, v13  }
0x2e: {  	v18 =	vld [tilespmem:s28+$0xFFFFFF80];
	[tilespmem:s29+$0xFFFFFFE0] =	vst v13;
	v7 =	vadd.f32 v11, v7;
	v11 =	vadd.f32 v8, v12  }
0x2f: {  	v9 =	vadd.f32 v10, v9;
	v8 =	vld [tilespmem:s28+$0xFFFFFFA0];
	[tilespmem:s29+$0x60] =	vst v0  }
0x30: {  	v5 =	vld [tilespmem:s28+$0x60];
	[tilespmem:s29+$0x50] =	vst v1  }
0x31: {  	v6 =	vld [tilespmem:s28+$0x50];
	[tilespmem:s29+$0x20] =	vst v7  }
0x32: {  	v3 =	vadd.f32 v17, v3;
	v10 =	vld [tilespmem:s28+$0x40];
	[tilespmem:s29+$0x30] =	vst v11  }
0x33: {  	v4 =	vadd.f32 v15, v4;
	v12 =	vadd.f32 v18, v2;
	v17 =	vld [tilespmem:s28+$0xFFFFFFB0];
	[tilespmem:s29+$0x10] =	vst v9;
	s29 =	smov.u32 s28  }
0x34: {  	v15 =	vld [tilespmem:s28+$0xFFFFFF90];
	[tilespmem:s28+$0xFFFFFFF0] =	vst v3;
	v3 =	vadd.f32 v16, v3  }
.Ltmp2:
0x35: {  	v7 =	vadd.f32 v8, v7;
	[tilespmem:s28+$0xFFFFFFC0] =	vst v4;
	v13 =	vld [tilespmem:s28+$0xFFFFFFD0];
	v2 =	vadd.f32 v14, v12;
	(pc) =	sbr.rel @p0 .LBB2_3-.Ltmp2, $4  }
0x36: {  	v14 =	vld [tilespmem:s28+$0xFFFFFFE0];
	[tilespmem:s28+$0x70] =	vst v3  }
0x37: {  	[tilespmem:s28+$0xFFFFFF80] =	vst v12;
	v8 =	vld [tilespmem:s28+$0x30];
	v4 =	vadd.f32 v10, v4  }
0x38: {  	[tilespmem:s28+$0xFFFFFFA0] =	vst v7;
	v12 =	vadd.f32 v17, v11;
	v10 =	vld [tilespmem:s28+$0x10]  }
0x39: {  	s28 =	sadd.s32 $0x100, s28;
	v9 =	vadd.f32 v15, v9;
	[tilespmem:s29+$0x0] =	vst v2;
	v11 =	vld [tilespmem:s29+$0x20]  }
0x3a: {  	[tilespmem:s29+$0xFFFFFFB0] =	vst v12  }
0x3b: {  	v1 =	vadd.f32 v13, v1;
	[tilespmem:s29+$0x40] =	vst v4  }
0x3c: {  	v13 =	vadd.f32 v14, v0;
	[tilespmem:s29+$0xFFFFFF90] =	vst v9  }
0x3d: {  	[tilespmem:s29+$0xFFFFFFD0] =	vst v1;
	v1 =	vadd.f32 v6, v1  }
0x3e: {  	v0 =	vadd.f32 v5, v13;
	[tilespmem:s29+$0xFFFFFFE0] =	vst v13  }
0x3f: {  	v10 =	vadd.f32 v10, v9;
	[tilespmem:s29+$0x50] =	vst v1  }
0x40: {  	s26 =	sshll.u32 s25, $0x15;
	v7 =	vadd.f32 v11, v7;
	[tilespmem:s29+$0x60] =	vst v0  }
0x41: {  	s0 =	sor.u32 s5, s26;
	v11 =	vadd.f32 v8, v12;
	[tilespmem:s29+$0x10] =	vst v10  }
0x42: {  	s28 =	sshrl.u32 s0, $0x3;
	[tilespmem:s29+$0x20] =	vst v7  }
0x43: {  	p0 =	seq.s32 s25, $0x0;
	s0 =	sadd.s32 s3, s28;
	[tilespmem:s29+$0x30] =	vst v11  }
0x44: {  	[hbm4b:s0+s12] =	stream.strided.scatter [tilespmem:s4], [sflag:$0x5], $0x4000, s13, s12, $0x38;
	[tilespmem:$0x10000] =	vst v63  }
0x45: {  	s0 =	simm.s32 @!p0 $0x7  }
0x46: {  	_ =	swait.ge @!p0 [sflag:s0], $0x4000  }
0x47: {  	s29 =	sor.u32 $0x20000, s28;
	[sflag:s0] =	ssyncset.done @!p0 $0x0  }
0x48: {  	[sflag:s0] =	ssyncadd.s32 @!p0 $0xFFFFC000;
	s0 =	sadd.s32 s2, s29  }
0x49: {  	[tilespmem:s13], [sflag:$0x3] =	stream.strided.gather [hbm4b:s0+s12], $0x4000, s13, s12, $0x38;
	[tilespmem:$0x10000] =	vst v63  }
0x4a: {  	_ =	swait.ge [sflag:s16], $0x4000  }
0x4b: {  	[sflag:s16] =	ssyncset.done $0x0  }
0x4c: {  	s30 =	simm.s32 $0x4080;
	[sflag:s16] =	ssyncadd.s32 $0xFFFFC000  }
0x4d: {  	v8 =	vld [tilespmem:s30+$0xFFFFFFC0]  }
0x4e: {  	v9 =	vld [tilespmem:s30+$0x70]  }
0x4f: {  	v12 =	vld [tilespmem:s30+$0xFFFFFFF0]  }
0x50: {  	v14 =	vld [tilespmem:s30+$0x0]  }
0x51: {  	v13 =	vld [tilespmem:s30+$0xFFFFFF80]  }
0x52: {  	v15 =	vld [tilespmem:s30+$0xFFFFFFA0]  }
0x53: {  	v5 =	vld [tilespmem:s30+$0x60]  }
0x54: {  	v6 =	vld [tilespmem:s30+$0x50]  }
0x55: {  	v16 =	vld [tilespmem:s30+$0xFFFFFFB0];
	v3 =	vadd.f32 v12, v3  }
0x56: {  	v17 =	vld [tilespmem:s30+$0xFFFFFF90];
	v4 =	vadd.f32 v8, v4  }
0x57: {  	v18 =	vld [tilespmem:s30+$0x40];
	v19 =	vadd.f32 v13, v2;
	[tilespmem:s30+$0xFFFFFFF0] =	vst v3  }
0x58: {  	v12 =	vld [tilespmem:s30+$0xFFFFFFD0];
	v7 =	vadd.f32 v15, v7;
	[tilespmem:s30+$0xFFFFFFC0] =	vst v4  }
0x59: {  	v13 =	vld [tilespmem:s30+$0xFFFFFFE0];
	v3 =	vadd.f32 v9, v3;
	[tilespmem:s30+$0xFFFFFF80] =	vst v19  }
0x5a: {  	v8 =	vld [tilespmem:s30+$0x30];
	v2 =	vadd.f32 v14, v19;
	[tilespmem:s30+$0xFFFFFFA0] =	vst v7  }
0x5b: {  	v11 =	vadd.f32 v16, v11;
	v9 =	vld [tilespmem:s30+$0x10];
	[tilespmem:s30+$0x70] =	vst v3  }
0x5c: {  	s31 =	simm.s32 $0x0;
	s0 =	simm.s32 $0x4180;
	v10 =	vadd.f32 v17, v10;
	v4 =	vadd.f32 v18, v4;
	v14 =	vld [tilespmem:s30+$0x20];
	[tilespmem:s30+$0x0] =	vst v2  }
.LBB2_5:
0x5d: {  	v15 =	vld [tilespmem:s0+$0xFFFFFFC0];
	s31 =	sadd.s32 $0x2, s31;
	[tilespmem:s30+$0xFFFFFFB0] =	vst v11  }
0x5e: {  	v1 =	vadd.f32 v12, v1;
	v16 =	vld [tilespmem:s0+$0x70];
	p1 =	slt.u32 s31, $0x7E;
	v12 =	vadd.f32 v13, v0;
	[tilespmem:s30+$0x40] =	vst v4  }
0x5f: {  	v13 =	vld [tilespmem:s0+$0x0];
	[tilespmem:s30+$0xFFFFFF90] =	vst v10  }
0x60: {  	v17 =	vld [tilespmem:s0+$0xFFFFFFF0];
	[tilespmem:s30+$0xFFFFFFD0] =	vst v1;
	v1 =	vadd.f32 v6, v1;
	v0 =	vadd.f32 v5, v12  }
0x61: {  	v11 =	vadd.f32 v8, v11;
	v18 =	vld [tilespmem:s0+$0xFFFFFF80];
	[tilespmem:s30+$0xFFFFFFE0] =	vst v12;
	v7 =	vadd.f32 v14, v7  }
0x62: {  	v10 =	vadd.f32 v9, v10;
	v8 =	vld [tilespmem:s0+$0xFFFFFFA0];
	[tilespmem:s30+$0x60] =	vst v0  }
0x63: {  	v5 =	vld [tilespmem:s0+$0x60];
	[tilespmem:s30+$0x50] =	vst v1  }
0x64: {  	v6 =	vld [tilespmem:s0+$0x50];
	[tilespmem:s30+$0x20] =	vst v7  }
0x65: {  	v3 =	vadd.f32 v17, v3;
	v9 =	vld [tilespmem:s0+$0x40];
	[tilespmem:s30+$0x30] =	vst v11  }
0x66: {  	v4 =	vadd.f32 v15, v4;
	v14 =	vadd.f32 v18, v2;
	v17 =	vld [tilespmem:s0+$0xFFFFFFB0];
	[tilespmem:s30+$0x10] =	vst v10;
	s30 =	smov.u32 s0  }
0x67: {  	v15 =	vld [tilespmem:s0+$0xFFFFFF90];
	[tilespmem:s0+$0xFFFFFFF0] =	vst v3;
	v3 =	vadd.f32 v16, v3  }
.Ltmp3:
0x68: {  	v7 =	vadd.f32 v8, v7;
	[tilespmem:s0+$0xFFFFFFC0] =	vst v4;
	v12 =	vld [tilespmem:s0+$0xFFFFFFD0];
	v2 =	vadd.f32 v13, v14;
	(pc) =	sbr.rel @p1 .LBB2_5-.Ltmp3, $4  }
0x69: {  	v13 =	vld [tilespmem:s0+$0xFFFFFFE0];
	[tilespmem:s0+$0x70] =	vst v3  }
0x6a: {  	[tilespmem:s0+$0xFFFFFF80] =	vst v14;
	v8 =	vld [tilespmem:s0+$0x30];
	v4 =	vadd.f32 v9, v4  }
0x6b: {  	[tilespmem:s0+$0xFFFFFFA0] =	vst v7;
	v11 =	vadd.f32 v17, v11;
	v9 =	vld [tilespmem:s0+$0x10]  }
0x6c: {  	s0 =	sadd.s32 $0x100, s0;
	v10 =	vadd.f32 v15, v10;
	[tilespmem:s30+$0x0] =	vst v2;
	v14 =	vld [tilespmem:s30+$0x20]  }
0x6d: {  	[tilespmem:s30+$0xFFFFFFB0] =	vst v11  }
0x6e: {  	v1 =	vadd.f32 v12, v1;
	[tilespmem:s30+$0x40] =	vst v4  }
0x6f: {  	v12 =	vadd.f32 v13, v0;
	[tilespmem:s30+$0xFFFFFF90] =	vst v10  }
0x70: {  	[tilespmem:s30+$0xFFFFFFD0] =	vst v1;
	v1 =	vadd.f32 v6, v1  }
0x71: {  	v11 =	vadd.f32 v8, v11;
	[tilespmem:s30+$0xFFFFFFE0] =	vst v12  }
0x72: {  	v0 =	vadd.f32 v5, v12;
	[tilespmem:s30+$0x50] =	vst v1  }
0x73: {  	v10 =	vadd.f32 v9, v10;
	[tilespmem:s30+$0x30] =	vst v11  }
0x74: {  	v7 =	vadd.f32 v14, v7;
	[tilespmem:s30+$0x60] =	vst v0  }
0x75: {  	[tilespmem:s30+$0x10] =	vst v10  }
0x76: {  	s0 =	sadd.s32 s28, s10;
	[tilespmem:s30+$0x20] =	vst v7  }
0x77: {  	[hbm4b:s0+s12] =	stream.strided.scatter [tilespmem:s14], [sflag:$0x6], $0x4000, s13, s12, $0x38;
	[tilespmem:$0x10000] =	vst v63  }
0x78: {  	s0 =	simm.s32 @!p0 $0x8  }
0x79: {  	_ =	swait.ge @!p0 [sflag:s0], $0x4000  }
0x7a: {  	s28 =	sor.u32 $0x30000, s28;
	[sflag:s0] =	ssyncset.done @!p0 $0x0  }
0x7b: {  	[sflag:s0] =	ssyncadd.s32 @!p0 $0xFFFFC000;
	s0 =	sadd.s32 s2, s28  }
0x7c: {  	[tilespmem:s17], [sflag:$0x4] =	stream.strided.gather [hbm4b:s0+s12], $0x4000, s13, s12, $0x38;
	[tilespmem:$0x10000] =	vst v63  }
0x7d: {  	_ =	swait.ge [sflag:s18], $0x4000  }
0x7e: {  	[sflag:s18] =	ssyncset.done $0x0  }
0x7f: {  	s30 =	simm.s32 $0x8080;
	[sflag:s18] =	ssyncadd.s32 $0xFFFFC000  }
0x80: {  	v8 =	vld [tilespmem:s30+$0xFFFFFFC0]  }
0x81: {  	v9 =	vld [tilespmem:s30+$0x70]  }
0x82: {  	v12 =	vld [tilespmem:s30+$0xFFFFFFF0]  }
0x83: {  	v14 =	vld [tilespmem:s30+$0x0]  }
0x84: {  	v13 =	vld [tilespmem:s30+$0xFFFFFF80]  }
0x85: {  	v15 =	vld [tilespmem:s30+$0xFFFFFFA0]  }
0x86: {  	v5 =	vld [tilespmem:s30+$0x60]  }
0x87: {  	v6 =	vld [tilespmem:s30+$0x50]  }
0x88: {  	v16 =	vld [tilespmem:s30+$0xFFFFFFB0];
	v3 =	vadd.f32 v12, v3  }
0x89: {  	v17 =	vld [tilespmem:s30+$0xFFFFFF90];
	v4 =	vadd.f32 v8, v4  }
0x8a: {  	v18 =	vld [tilespmem:s30+$0x40];
	v19 =	vadd.f32 v13, v2;
	[tilespmem:s30+$0xFFFFFFF0] =	vst v3  }
0x8b: {  	v12 =	vld [tilespmem:s30+$0xFFFFFFD0];
	v7 =	vadd.f32 v15, v7;
	[tilespmem:s30+$0xFFFFFFC0] =	vst v4  }
0x8c: {  	v13 =	vld [tilespmem:s30+$0xFFFFFFE0];
	v3 =	vadd.f32 v9, v3;
	[tilespmem:s30+$0xFFFFFF80] =	vst v19  }
0x8d: {  	v8 =	vld [tilespmem:s30+$0x30];
	v2 =	vadd.f32 v14, v19;
	[tilespmem:s30+$0xFFFFFFA0] =	vst v7  }
0x8e: {  	v11 =	vadd.f32 v16, v11;
	v9 =	vld [tilespmem:s30+$0x10];
	[tilespmem:s30+$0x70] =	vst v3  }
0x8f: {  	s31 =	simm.s32 $0x0;
	s0 =	simm.s32 $0x8180;
	v10 =	vadd.f32 v17, v10;
	v4 =	vadd.f32 v18, v4;
	v14 =	vld [tilespmem:s30+$0x20];
	[tilespmem:s30+$0x0] =	vst v2  }
.LBB2_7:
0x90: {  	v15 =	vld [tilespmem:s0+$0xFFFFFFC0];
	s31 =	sadd.s32 $0x2, s31;
	[tilespmem:s30+$0xFFFFFFB0] =	vst v11  }
0x91: {  	v1 =	vadd.f32 v12, v1;
	v16 =	vld [tilespmem:s0+$0x70];
	p0 =	slt.u32 s31, $0x7E;
	v12 =	vadd.f32 v13, v0;
	[tilespmem:s30+$0x40] =	vst v4  }
0x92: {  	v13 =	vld [tilespmem:s0+$0x0];
	[tilespmem:s30+$0xFFFFFF90] =	vst v10  }
0x93: {  	v17 =	vld [tilespmem:s0+$0xFFFFFFF0];
	[tilespmem:s30+$0xFFFFFFD0] =	vst v1;
	v1 =	vadd.f32 v6, v1;
	v0 =	vadd.f32 v5, v12  }
0x94: {  	v11 =	vadd.f32 v8, v11;
	v18 =	vld [tilespmem:s0+$0xFFFFFF80];
	[tilespmem:s30+$0xFFFFFFE0] =	vst v12;
	v7 =	vadd.f32 v14, v7  }
0x95: {  	v10 =	vadd.f32 v9, v10;
	v8 =	vld [tilespmem:s0+$0xFFFFFFA0];
	[tilespmem:s30+$0x60] =	vst v0  }
0x96: {  	v5 =	vld [tilespmem:s0+$0x60];
	[tilespmem:s30+$0x50] =	vst v1  }
0x97: {  	v6 =	vld [tilespmem:s0+$0x50];
	[tilespmem:s30+$0x20] =	vst v7  }
0x98: {  	v3 =	vadd.f32 v17, v3;
	v9 =	vld [tilespmem:s0+$0x40];
	[tilespmem:s30+$0x30] =	vst v11  }
0x99: {  	v4 =	vadd.f32 v15, v4;
	v14 =	vadd.f32 v18, v2;
	v17 =	vld [tilespmem:s0+$0xFFFFFFB0];
	[tilespmem:s30+$0x10] =	vst v10;
	s30 =	smov.u32 s0  }
0x9a: {  	v15 =	vld [tilespmem:s0+$0xFFFFFF90];
	[tilespmem:s0+$0xFFFFFFF0] =	vst v3;
	v3 =	vadd.f32 v16, v3  }
.Ltmp4:
0x9b: {  	v7 =	vadd.f32 v8, v7;
	[tilespmem:s0+$0xFFFFFFC0] =	vst v4;
	v12 =	vld [tilespmem:s0+$0xFFFFFFD0];
	v2 =	vadd.f32 v13, v14;
	(pc) =	sbr.rel @p0 .LBB2_7-.Ltmp4, $4  }
0x9c: {  	v13 =	vld [tilespmem:s0+$0xFFFFFFE0];
	[tilespmem:s0+$0x70] =	vst v3  }
0x9d: {  	[tilespmem:s0+$0xFFFFFF80] =	vst v14;
	v8 =	vld [tilespmem:s0+$0x30];
	v4 =	vadd.f32 v9, v4  }
0x9e: {  	[tilespmem:s0+$0xFFFFFFA0] =	vst v7;
	v11 =	vadd.f32 v17, v11;
	v9 =	vld [tilespmem:s0+$0x10]  }
0x9f: {  	s0 =	sadd.s32 $0x100, s0;
	v10 =	vadd.f32 v15, v10;
	[tilespmem:s30+$0x0] =	vst v2;
	v14 =	vld [tilespmem:s30+$0x20]  }
0xa0: {  	[tilespmem:s30+$0xFFFFFFB0] =	vst v11  }
0xa1: {  	v1 =	vadd.f32 v12, v1;
	[tilespmem:s30+$0x40] =	vst v4  }
0xa2: {  	v12 =	vadd.f32 v13, v0;
	[tilespmem:s30+$0xFFFFFF90] =	vst v10  }
0xa3: {  	[tilespmem:s30+$0xFFFFFFD0] =	vst v1;
	v1 =	vadd.f32 v6, v1  }
0xa4: {  	v11 =	vadd.f32 v8, v11;
	[tilespmem:s30+$0xFFFFFFE0] =	vst v12  }
0xa5: {  	v0 =	vadd.f32 v5, v12;
	[tilespmem:s30+$0x50] =	vst v1  }
0xa6: {  	v7 =	vadd.f32 v14, v7;
	[tilespmem:s30+$0x30] =	vst v11  }
0xa7: {  	v14 =	vadd.f32 v9, v10;
	[tilespmem:s30+$0x60] =	vst v0  }
0xa8: {  	[tilespmem:s30+$0x20] =	vst v7  }
0xa9: {  	s0 =	sadd.s32 s3, s29;
	p0 =	seq.s32 s25, $0xF;
	[tilespmem:s30+$0x10] =	vst v14  }
0xaa: {  	[hbm4b:s0+s12] =	stream.strided.scatter [tilespmem:s13], [sflag:$0x7], $0x4000, s13, s12, $0x38;
	[tilespmem:$0x10000] =	vst v63  }
0xab: {  	s29 =	simm.s32 @!p0 $0x400;
	s0 =	sadd.s32 @!p0 s8, s26;
	_ =	swait.ge [sflag:s19], $0x4000  }
0xac: {  	s31 =	simm.s32 @!p0 $0x0;
	s0 =	sshrl.u32 @!p0 s0, $0x3;
	[sflag:s19] =	ssyncset.done $0x0  }
0xad: {  	s30 =	simm.s32 @!p0 $0x8000;
	s0 =	sadd.s32 @!p0 s2, s0;
	[sflag:s19] =	ssyncadd.s32 $0xFFFFC000  }
0xae: {  	[tilespmem:s31], [sflag:$0x1] =	stream.strided.gather @!p0 [hbm4b:s0+s29], $0x4000, s30, s29, $0x38;
	[tilespmem:$0x10000] =	vst v63  }
0xaf: {  	_ =	swait.ge [sflag:s20], $0x4000  }
0xb0: {  	[sflag:s20] =	ssyncset.done $0x0  }
0xb1: {  	s29 =	simm.s32 $0xC080;
	[sflag:s20] =	ssyncadd.s32 $0xFFFFC000  }
0xb2: {  	v8 =	vld [tilespmem:s29+$0xFFFFFFC0]  }
0xb3: {  	v9 =	vld [tilespmem:s29+$0x70]  }
0xb4: {  	v10 =	vld [tilespmem:s29+$0xFFFFFFF0]  }
0xb5: {  	v15 =	vld [tilespmem:s29+$0x0]  }
0xb6: {  	v12 =	vld [tilespmem:s29+$0xFFFFFF80]  }
0xb7: {  	v16 =	vld [tilespmem:s29+$0xFFFFFFA0]  }
0xb8: {  	v5 =	vld [tilespmem:s29+$0x60]  }
0xb9: {  	v6 =	vld [tilespmem:s29+$0x50]  }
0xba: {  	v17 =	vld [tilespmem:s29+$0xFFFFFFB0];
	v3 =	vadd.f32 v10, v3  }
0xbb: {  	v18 =	vld [tilespmem:s29+$0xFFFFFF90];
	v4 =	vadd.f32 v8, v4  }
0xbc: {  	v19 =	vld [tilespmem:s29+$0x40];
	v10 =	vadd.f32 v12, v2;
	[tilespmem:s29+$0xFFFFFFF0] =	vst v3  }
0xbd: {  	v13 =	vld [tilespmem:s29+$0xFFFFFFE0];
	v7 =	vadd.f32 v16, v7;
	[tilespmem:s29+$0xFFFFFFC0] =	vst v4  }
0xbe: {  	v12 =	vld [tilespmem:s29+$0xFFFFFFD0];
	v2 =	vadd.f32 v9, v3;
	[tilespmem:s29+$0xFFFFFF80] =	vst v10  }
0xbf: {  	v8 =	vld [tilespmem:s29+$0x30];
	v3 =	vadd.f32 v15, v10;
	[tilespmem:s29+$0xFFFFFFA0] =	vst v7  }
0xc0: {  	v10 =	vld [tilespmem:s29+$0x10];
	v9 =	vadd.f32 v17, v11;
	[tilespmem:s29+$0x70] =	vst v2  }
0xc1: {  	s30 =	simm.s32 $0x0;
	s0 =	simm.s32 $0xC180;
	v4 =	vadd.f32 v19, v4;
	v11 =	vadd.f32 v18, v14;
	v14 =	vld [tilespmem:s29+$0x20];
	[tilespmem:s29+$0x0] =	vst v3  }
.LBB2_9:
0xc2: {  	v15 =	vld [tilespmem:s0+$0xFFFFFFC0];
	s30 =	sadd.s32 $0x2, s30;
	[tilespmem:s29+$0xFFFFFFB0] =	vst v9  }
0xc3: {  	v1 =	vadd.f32 v12, v1;
	v16 =	vld [tilespmem:s0+$0x70];
	p1 =	slt.u32 s30, $0x7E;
	v12 =	vadd.f32 v13, v0;
	[tilespmem:s29+$0x40] =	vst v4  }
0xc4: {  	v13 =	vld [tilespmem:s0+$0x0];
	[tilespmem:s29+$0xFFFFFF90] =	vst v11  }
0xc5: {  	v17 =	vld [tilespmem:s0+$0xFFFFFFF0];
	[tilespmem:s29+$0xFFFFFFD0] =	vst v1;
	v1 =	vadd.f32 v6, v1;
	v0 =	vadd.f32 v5, v12  }
0xc6: {  	v9 =	vadd.f32 v8, v9;
	v18 =	vld [tilespmem:s0+$0xFFFFFF80];
	[tilespmem:s29+$0xFFFFFFE0] =	vst v12;
	v7 =	vadd.f32 v14, v7  }
0xc7: {  	v11 =	vadd.f32 v10, v11;
	v8 =	vld [tilespmem:s0+$0xFFFFFFA0];
	[tilespmem:s29+$0x60] =	vst v0  }
0xc8: {  	v5 =	vld [tilespmem:s0+$0x60];
	[tilespmem:s29+$0x50] =	vst v1  }
0xc9: {  	v6 =	vld [tilespmem:s0+$0x50];
	[tilespmem:s29+$0x20] =	vst v7  }
0xca: {  	v2 =	vadd.f32 v17, v2;
	v10 =	vld [tilespmem:s0+$0x40];
	[tilespmem:s29+$0x30] =	vst v9  }
0xcb: {  	v4 =	vadd.f32 v15, v4;
	v14 =	vadd.f32 v18, v3;
	v17 =	vld [tilespmem:s0+$0xFFFFFFB0];
	[tilespmem:s29+$0x10] =	vst v11;
	s29 =	smov.u32 s0  }
0xcc: {  	v15 =	vld [tilespmem:s0+$0xFFFFFF90];
	[tilespmem:s0+$0xFFFFFFF0] =	vst v2;
	v2 =	vadd.f32 v16, v2  }
.Ltmp5:
0xcd: {  	v7 =	vadd.f32 v8, v7;
	[tilespmem:s0+$0xFFFFFFC0] =	vst v4;
	v12 =	vld [tilespmem:s0+$0xFFFFFFD0];
	v3 =	vadd.f32 v13, v14;
	(pc) =	sbr.rel @p1 .LBB2_9-.Ltmp5, $4  }
0xce: {  	v13 =	vld [tilespmem:s0+$0xFFFFFFE0];
	[tilespmem:s0+$0x70] =	vst v2  }
0xcf: {  	[tilespmem:s0+$0xFFFFFF80] =	vst v14;
	v8 =	vld [tilespmem:s0+$0x30];
	v4 =	vadd.f32 v10, v4  }
0xd0: {  	[tilespmem:s0+$0xFFFFFFA0] =	vst v7;
	v9 =	vadd.f32 v17, v9;
	v10 =	vld [tilespmem:s0+$0x10]  }
0xd1: {  	s0 =	sadd.s32 $0x100, s0;
	v11 =	vadd.f32 v15, v11;
	[tilespmem:s29+$0x0] =	vst v3;
	v14 =	vld [tilespmem:s29+$0x20]  }
0xd2: {  	[tilespmem:s29+$0xFFFFFFB0] =	vst v9  }
0xd3: {  	v1 =	vadd.f32 v12, v1;
	[tilespmem:s29+$0x40] =	vst v4  }
0xd4: {  	v63 =	vadd.f32 v13, v0;
	[tilespmem:s29+$0xFFFFFF90] =	vst v11  }
0xd5: {  	[tilespmem:s29+$0xFFFFFFD0] =	vst v1;
	v1 =	vadd.f32 v6, v1  }
0xd6: {  	v9 =	vadd.f32 v8, v9;
	[tilespmem:s29+$0xFFFFFFE0] =	vst v63  }
0xd7: {  	v0 =	vadd.f32 v5, v63;
	[tilespmem:s29+$0x50] =	vst v1  }
0xd8: {  	v11 =	vadd.f32 v10, v11;
	[tilespmem:s29+$0x30] =	vst v9  }
0xd9: {  	v7 =	vadd.f32 v14, v7;
	[tilespmem:s29+$0x60] =	vst v0  }
0xda: {  	[tilespmem:s29+$0x10] =	vst v11  }
.Ltmp6:
0xdb: {  	s0 =	sadd.s32 s3, s28;
	[tilespmem:s29+$0x20] =	vst v7;
	(pc) =	sbr.rel @p0 .LBB2_12-.Ltmp6, $4  }
0xdc: {  	[hbm4b:s0+s12] =	stream.strided.scatter [tilespmem:s17], [sflag:$0x8], $0x4000, s13, s12, $0x38;
	[tilespmem:$0x10000] =	vst v63  }
0xdd: {  	_ =	swait.ge [sflag:s21], $0x4000  }
0xde: {  	[sflag:s21] =	ssyncset.done $0x0  }
0xdf: {  	[sflag:s21] =	ssyncadd.s32 $0xFFFFC000  }
.Ltmp7:
0xe0: {  	(pc) =	sbr.rel .LBB2_2-.Ltmp7, $4  }
0xe1: {  	s0 =	sadd.s32 s9, s26  }
0xe2: {  	s0 =	sshrl.u32 s0, $0x3  }
0xe3: {  	s25 =	sadd.s32 $0x1, s25;
	s0 =	sadd.s32 s2, s0  }
0xe4: {  	[tilespmem:s14], [sflag:$0x2] =	stream.strided.gather [hbm4b:s0+s12], $0x4000, s13, s12, $0x38;
	[tilespmem:$0x10000] =	vst v63  }
.LBB2_13:
0xe5: {  	_ =	sfence.sel $0x180000  }
0xe6: {  	[bflag:$0x0] =	sbarrier.arrive $0xFFFF  }
0xe7: {  	_ =	strace $0x90000047  }
0xe8: {  	[bflag:$0x2] =	sbarrier.arrive $0xFFFF  }
0xe9: {  	p0 =	sne.s32 s1, $0x0;
	s0 =	rddreg [dreg:$0x2]  }
0xea: {  	s0 =	sadd.s32 @!p0 $0x100000, s0  }
0xeb: {  	[sflag:s0] =	ssyncadd.tile.s32 @!p0 $0x1;
	_ =	shalt  }
.Lfunc_end2:
_tile_overlayer_lowered:
.L_overlay_start_2:
0xec: {  	(tag) =	ssettag $0x2  }
0xed: {  	s0 =	rddreg [dreg:$0x0];
	s2 =	stileid.u32  }
0xee: {  	s1 =	rddreg [dreg:$0x1];
	p0 =	sne.s32 s2, $0x0  }
0xef: {  	s3 =	rddreg [dreg:$0x2];
	[bflag:$0x3] =	sbarrier.arrive $0xFFFF;
	s2 =	simm.s32 @!p0 $0x1C09  }
0xf0: {  	[timem:s3], [sflag:s2] =	dma.local @!p0 [hbm:s0], s1  }
0xf1: {  	s0 =	simm.s32 @!p0 $0x9  }
0xf2: {  	_ =	swait.ge @!p0 [sflag:s0], s1  }
0xf3: {  	s1 =	ssub.s32 @!p0 $0x0, s1;
	[sflag:s0] =	ssyncset.done @!p0 $0x0  }
0xf4: {  	[sflag:s0] =	ssyncadd.s32 @!p0 s1  }
0xf5: {  	[bflag:$0x3] =	sbarrier.arrive $0xFFFF  }
0xf6: {  	_ =	shalt  }

</sc_bundles>
